<compile_context>
chip_gen: v7x
topology: tpu7x:2x2x1
jax: 0.10.2.dev20260603
libtpu: 0.0.44.dev20260713+nightly
codegen_flags: <defaults>
</compile_context>

<pallas_src>
import functools

import jax
import jax.numpy as jnp
from jax import lax
from jax.experimental import pallas as pl
from jax.experimental.pallas import tpu as pltpu
from jax.experimental.pallas import tpu_sc as plsc

G = 64
G3 = G * G * G
GP = G + 8
PAD = 4
G3P = G * GP * GP
CIN = 32
COUT = 32

_NC = 2
_NS = 16
_NW = _NC * _NS

_NZ = 4096


def _make_sc_densify(n, chunk):
    b_per_w = G3P // _NW
    nchunks = b_per_w // chunk
    assert chunk % 16 == 0 and b_per_w % chunk == 0
    mesh = plsc.VectorSubcoreMesh(core_axis_name="c", subcore_axis_name="s")

    @functools.partial(
        pl.kernel,
        mesh=mesh,
        out_type=jax.ShapeDtypeStruct((G3P, CIN), jnp.float32),
        scratch_types=[
            pltpu.VMEM((chunk,), jnp.int32),
            pltpu.VMEM((chunk, CIN), jnp.float32),
            pltpu.SemaphoreType.DMA,
        ],
        compiler_params=pltpu.CompilerParams(use_tc_tiling_on_sc=False),
    )
    def densify_kernel(table_hbm, idx_hbm, out_hbm, idx_v, rows_v, sem):
        wid = lax.axis_index("s") * _NC + lax.axis_index("c")
        base = wid * b_per_w
        lanes = lax.iota(jnp.int32, 16)
        for ci in range(nchunks):
            off = base + ci * chunk
            pltpu.sync_copy(idx_hbm.at[pl.ds(off, chunk)], idx_v)

            def remap(j, _):
                v = idx_v[pl.ds(j * 16, 16)]
                cid = off + j * 16 + lanes
                spread = n + (cid & (_NZ - 1))
                idx_v[pl.ds(j * 16, 16)] = jnp.where(v == n, spread, v)
                return _

            lax.fori_loop(0, chunk // 16, remap, 0)
            pltpu.async_copy(table_hbm.at[idx_v], rows_v, sem).wait()
            pltpu.sync_copy(rows_v, out_hbm.at[pl.ds(off, chunk)])

    return densify_kernel


def _make_sc_out_gather(n):
    b_per_w = -(-n // _NW)
    b_per_w = ((b_per_w + 7) // 8) * 8
    last = n - (_NW - 1) * b_per_w
    assert 0 < last <= b_per_w and last % 8 == 0
    mesh = plsc.VectorSubcoreMesh(core_axis_name="c", subcore_axis_name="s")

    @functools.partial(
        pl.kernel,
        mesh=mesh,
        out_type=jax.ShapeDtypeStruct((n, COUT), jnp.float32),
        scratch_types=[
            pltpu.VMEM((b_per_w,), jnp.int32),
            pltpu.VMEM((b_per_w, COUT), jnp.float32),
            pltpu.SemaphoreType.DMA,
        ],
        compiler_params=pltpu.CompilerParams(use_tc_tiling_on_sc=False),
    )
    def out_gather_kernel(grid_hbm, idx_hbm, out_hbm, idx_v, rows_v, sem):
        wid = lax.axis_index("s") * _NC + lax.axis_index("c")
        base = wid * b_per_w

        @pl.when(wid < _NW - 1)
        def _full():
            pltpu.sync_copy(idx_hbm.at[pl.ds(base, b_per_w)], idx_v)
            pltpu.async_copy(grid_hbm.at[idx_v], rows_v, sem).wait()
            pltpu.sync_copy(rows_v, out_hbm.at[pl.ds(base, b_per_w)])

        @pl.when(wid == _NW - 1)
        def _tail():
            pltpu.sync_copy(
                idx_hbm.at[pl.ds(base, last)], idx_v.at[pl.ds(0, last)]
            )
            pltpu.async_copy(
                grid_hbm.at[idx_v.at[pl.ds(0, last)]],
                rows_v.at[pl.ds(0, last)],
                sem,
            ).wait()
            pltpu.sync_copy(
                rows_v.at[pl.ds(0, last)], out_hbm.at[pl.ds(base, last)]
            )

    return out_gather_kernel


def _conv_body(wc_ref, b_ref, s_ref, o_ref, x9_ref):
    x = pl.program_id(0)
    slab = s_ref[...].astype(jnp.bfloat16).reshape(GP, GP, CIN)
    shifts = [
        slab[PAD + dy:PAD + G + dy, PAD + dz:PAD + G + dz, :]
        for dy in (-1, 0, 1)
        for dz in (-1, 0, 1)
    ]
    x9_ref[x % 3] = jnp.concatenate(shifts, axis=2).reshape(G * G, 9 * CIN)

    @pl.when(x >= 1)
    def _emit():
        o = x - 1
        acc = jnp.zeros((G * G, COUT), dtype=jnp.float32)
        for dxi in range(3):
            term = jnp.dot(
                x9_ref[(o - 1 + dxi) % 3],
                wc_ref[dxi],
                preferred_element_type=jnp.float32,
            )
            if dxi == 0:
                term = jnp.where(o > 0, term, 0.0)
            elif dxi == 2:
                term = jnp.where(o < G - 1, term, 0.0)
            acc = acc + term
        o_ref[...] = acc + b_ref[0]


def _conv_grid(dense, w_cat, b2):
    blk = GP * GP
    return pl.pallas_call(
        _conv_body,
        grid=(G + 1,),
        in_specs=[
            pl.BlockSpec((3, 9 * CIN, COUT), lambda x: (0, 0, 0)),
            pl.BlockSpec((1, COUT), lambda x: (0, 0)),
            pl.BlockSpec((blk, CIN), lambda x: (jnp.minimum(x, G - 1), 0)),
        ],
        out_specs=pl.BlockSpec((G * G, COUT), lambda x: (jnp.maximum(x - 1, 0), 0)),
        out_shape=jax.ShapeDtypeStruct((G3, COUT), jnp.float32),
        scratch_shapes=[pltpu.VMEM((3, G * G, 9 * CIN), jnp.bfloat16)],
    )(w_cat, b2, dense)


def kernel(feats, coords, W, b):
    n = feats.shape[0]
    keys = coords[:, 0] * (G * G) + coords[:, 1] * G + coords[:, 2]
    keys_p = (
        coords[:, 0] * (GP * GP)
        + (coords[:, 1] + PAD) * GP
        + coords[:, 2]
        + PAD
    )

    table = jnp.full((G3P,), n, dtype=jnp.int32).at[keys_p].min(
        jnp.arange(n, dtype=jnp.int32)
    )

    feats2 = jnp.concatenate(
        [feats, jnp.zeros((_NZ, CIN), dtype=feats.dtype)], axis=0
    )

    dense = _make_sc_densify(n, 2592)(feats2, table)

    w_r = W.reshape(3, 3, 3, CIN, COUT)
    w_cat = jnp.stack(
        [
            jnp.concatenate(
                [w_r[dxi, dyi, dzi] for dyi in range(3) for dzi in range(3)],
                axis=0,
            )
            for dxi in range(3)
        ]
    ).astype(jnp.bfloat16)
    b2 = b.reshape(1, COUT)

    out_grid = _conv_grid(dense, w_cat, b2)

    return _make_sc_out_gather(n)(out_grid, keys)

# --- scband reference (transcript-rebuilt; emitter-appended) ---
"""Pipeline reference for scband-sparse-conv3d-82429012345627 (READ-ONLY COPY).

The authoritative reference and input builder live on the scoring server;
editing this copy changes nothing except your own understanding.
"""

import jax, jax.numpy as jnp
import numpy as np

G = 64
K = 3
CIN = 32
COUT = 32
N = 100000


def setup_inputs(seed: int = 0) -> dict:
    key = jax.random.key(seed)
    k1, k2, k3, k4 = jax.random.split(key, 4)
    feats = jax.random.normal(k1, (N, CIN), dtype=jnp.float32)
    coords = jax.random.randint(k2, (N, 3), 0, G, dtype=jnp.int32)
    # learned params: one [CIN, COUT] matrix per kernel offset (27 total), plus bias
    W = jax.random.normal(k3, (K * K * K, CIN, COUT), dtype=jnp.float32) * (1.0 / np.sqrt(K * K * K * CIN))
    b = jax.random.normal(k4, (COUT,), dtype=jnp.float32) * 0.01
    return {"feats": feats, "coords": coords, "W": W, "b": b}


def _hash(c):
    return c[:, 0] * (G * G) + c[:, 1] * G + c[:, 2]


def reference(feats, coords, W, b):
    # Submanifold-style sparse 3D conv (stride=1, padding=1): output sites == input sites.
    # For each of the 27 kernel offsets, look up the neighboring active voxel via a
    # sorted coordinate-hash + searchsorted (gather), multiply by that offset's weight,
    # and accumulate.
    keys = _hash(coords)
    order = jnp.argsort(keys)
    sorted_keys = keys[order]
    n = feats.shape[0]
    out = jnp.zeros((n, W.shape[2]), dtype=feats.dtype)
    idx = 0
    for dx in (-1, 0, 1):
        for dy in (-1, 0, 1):
            for dz in (-1, 0, 1):
                off = jnp.array([dx, dy, dz], dtype=coords.dtype)
                nbr = coords + off
                valid = jnp.all((nbr >= 0) & (nbr < G), axis=1)
                nkeys = _hash(nbr)
                pos = jnp.clip(jnp.searchsorted(sorted_keys, nkeys), 0, n - 1)
                found = (sorted_keys[pos] == nkeys) & valid
                src = order[pos]
                gathered = jnp.where(found[:, None], feats[src], jnp.zeros((), dtype=feats.dtype))
                out = out + gathered @ W[idx]
                idx += 1
    return out + b

if __name__ == "__main__":
    import jax
    _d = setup_inputs()
    print(jax.jit(kernel)(*tuple(_d.values())))

</pallas_src>

<mosaic_0001>
#map = affine_map<(d0, d1) -> (0, 0)>
#map1 = affine_map<(d0, d1) -> (0)>
module attributes {stable_mosaic.version = 14 : i64} {
  func.func @out_gather_kernel(%arg0: i32, %arg1: i32, %arg2: memref<262144x32xf32, #tpu.memory_space<hbm>>, %arg3: memref<100000xi32, #tpu.memory_space<hbm>>, %arg4: memref<100000x32xf32, #tpu.memory_space<hbm>>, %arg5: memref<3128xi32, #tpu.memory_space<vmem>>, %arg6: memref<3128x32xf32, #tpu.memory_space<vmem>>, %arg7: memref<!tpu.dma_semaphore, #tpu.memory_space<semaphore_mem>>) attributes {dimension_semantics = [#tpu.dimension_semantics<core_parallel>, #tpu.dimension_semantics<subcore_parallel>], iteration_bounds = array<i64: 2, 16>, scalar_prefetch = 0 : i64, scratch_operands = 3 : i64, tpu.core_type = #tpu.core_type<sc_vector_subcore>, window_params = [{transform_indices = #map}, {transform_indices = #map1}, {transform_indices = #map}]} {
    %mul3A = arith.constant 2 : i32
    %mul3A_0 = arith.muli %arg1, %mul3A : i32
    %add3A = arith.addi %mul3A_0, %arg0 : i32
    %mul3A_1 = arith.constant 3128 : i32
    %mul3A_2 = arith.muli %add3A, %mul3A_1 : i32
    %lt3A = arith.constant 31 : i32
    %lt3A_3 = arith.cmpi slt, %add3A, %lt3A : i32
    %convert_element_type3A = arith.extui %lt3A_3 : i1 to i32
    %cond3A = arith.constant 0 : i32
    %cond3A_4 = arith.cmpi ne, %convert_element_type3A, %cond3A : i32
    scf.if %cond3A_4 {
      "tpu.region"() ({
        %run_scoped3A = tpu.sem_alloc : memref<!tpu.dma_semaphore, #tpu.memory_space<semaphore_mem>>
        %dma_start3A_13 = tpu.memref_slice %arg3[%mul3A_2] : memref<100000xi32, #tpu.memory_space<hbm>> -> memref<3128xi32, #tpu.memory_space<hbm>>
        %dma_start3A_14 = tpu.memref_slice %arg3[%mul3A_2] : memref<100000xi32, #tpu.memory_space<hbm>> -> memref<3128xi32, #tpu.memory_space<hbm>>
        tpu.enqueue_dma source(%dma_start3A_14 : memref<3128xi32, #tpu.memory_space<hbm>>) target(%arg5 : memref<3128xi32, #tpu.memory_space<vmem>>) target_semaphore(%run_scoped3A : memref<!tpu.dma_semaphore, #tpu.memory_space<semaphore_mem>>)
        %dma_wait3A_15 = tpu.memref_slice %arg3[%mul3A_2] : memref<100000xi32, #tpu.memory_space<hbm>> -> memref<3128xi32, #tpu.memory_space<hbm>>
        %dma_wait3A_16 = tpu.memref_slice %arg3[%mul3A_2] : memref<100000xi32, #tpu.memory_space<hbm>> -> memref<3128xi32, #tpu.memory_space<hbm>>
        tpu.wait_dma2 semaphore(%run_scoped3A : memref<!tpu.dma_semaphore, #tpu.memory_space<semaphore_mem>>) src(%dma_wait3A_16 : memref<3128xi32, #tpu.memory_space<hbm>>) dst(%arg5 : memref<3128xi32, #tpu.memory_space<vmem>>)
        tpu.yield
      }) : () -> ()
      %dma_start3A = arith.constant 0 : i32
      %dma_start3A_9 = arith.constant 0 : i32
      %dma_start3A_10 = tpu.memref_slice %arg2[%dma_start3A, %dma_start3A_9] : memref<262144x32xf32, #tpu.memory_space<hbm>> -> memref<262144x32xf32, #tpu.memory_space<hbm>>
      tpu.enqueue_indirect_dma source(%dma_start3A_10 : memref<262144x32xf32, #tpu.memory_space<hbm>>) target(%arg6 : memref<3128x32xf32, #tpu.memory_space<vmem>>) offsets(%arg5 : memref<3128xi32, #tpu.memory_space<vmem>>) semaphore(%arg7 : memref<!tpu.dma_semaphore, #tpu.memory_space<semaphore_mem>>)
      %dma_wait3A = arith.constant 0 : i32
      %dma_wait3A_11 = arith.constant 0 : i32
      %dma_wait3A_12 = tpu.memref_slice %arg2[%dma_wait3A, %dma_wait3A_11] : memref<262144x32xf32, #tpu.memory_space<hbm>> -> memref<262144x32xf32, #tpu.memory_space<hbm>>
      tpu.wait_indirect_dma semaphore(%arg7 : memref<!tpu.dma_semaphore, #tpu.memory_space<semaphore_mem>>) src(%dma_wait3A_12 : memref<262144x32xf32, #tpu.memory_space<hbm>>) dst(%arg6 : memref<3128x32xf32, #tpu.memory_space<vmem>>)
      "tpu.region"() ({
        %run_scoped3A = tpu.sem_alloc : memref<!tpu.dma_semaphore, #tpu.memory_space<semaphore_mem>>
        %dma_start3A_13 = arith.constant 0 : i32
        %dma_start3A_14 = tpu.memref_slice %arg4[%mul3A_2, %dma_start3A_13] : memref<100000x32xf32, #tpu.memory_space<hbm>> -> memref<3128x32xf32, #tpu.memory_space<hbm>>
        %dma_start3A_15 = arith.constant 0 : i32
        %dma_start3A_16 = tpu.memref_slice %arg4[%mul3A_2, %dma_start3A_15] : memref<100000x32xf32, #tpu.memory_space<hbm>> -> memref<3128x32xf32, #tpu.memory_space<hbm>>
        tpu.enqueue_dma source(%arg6 : memref<3128x32xf32, #tpu.memory_space<vmem>>) target(%dma_start3A_16 : memref<3128x32xf32, #tpu.memory_space<hbm>>) target_semaphore(%run_scoped3A : memref<!tpu.dma_semaphore, #tpu.memory_space<semaphore_mem>>)
        %dma_wait3A_17 = arith.constant 0 : i32
        %dma_wait3A_18 = tpu.memref_slice %arg4[%mul3A_2, %dma_wait3A_17] : memref<100000x32xf32, #tpu.memory_space<hbm>> -> memref<3128x32xf32, #tpu.memory_space<hbm>>
        %dma_wait3A_19 = arith.constant 0 : i32
        %dma_wait3A_20 = tpu.memref_slice %arg4[%mul3A_2, %dma_wait3A_19] : memref<100000x32xf32, #tpu.memory_space<hbm>> -> memref<3128x32xf32, #tpu.memory_space<hbm>>
        tpu.wait_dma2 semaphore(%run_scoped3A : memref<!tpu.dma_semaphore, #tpu.memory_space<semaphore_mem>>) src(%arg6 : memref<3128x32xf32, #tpu.memory_space<vmem>>) dst(%dma_wait3A_20 : memref<3128x32xf32, #tpu.memory_space<hbm>>)
        tpu.yield
      }) : () -> ()
    } else {
    }
    %eq3A = arith.constant 31 : i32
    %eq3A_5 = arith.cmpi eq, %add3A, %eq3A : i32
    %convert_element_type3A_6 = arith.extui %eq3A_5 : i1 to i32
    %cond3A_7 = arith.constant 0 : i32
    %cond3A_8 = arith.cmpi ne, %convert_element_type3A_6, %cond3A_7 : i32
    scf.if %cond3A_8 {
      "tpu.region"() ({
        %run_scoped3A = tpu.sem_alloc : memref<!tpu.dma_semaphore, #tpu.memory_space<semaphore_mem>>
        %dma_start3A_23 = arith.constant 0 : i32
        %dma_start3A_24 = tpu.memref_slice %arg5[%dma_start3A_23] : memref<3128xi32, #tpu.memory_space<vmem>> -> memref<3032xi32, #tpu.memory_space<vmem>>
        %dma_start3A_25 = tpu.memref_slice %arg3[%mul3A_2] : memref<100000xi32, #tpu.memory_space<hbm>> -> memref<3032xi32, #tpu.memory_space<hbm>>
        %dma_start3A_26 = arith.constant 0 : i32
        %dma_start3A_27 = tpu.memref_slice %arg5[%dma_start3A_26] : memref<3128xi32, #tpu.memory_space<vmem>> -> memref<3032xi32, #tpu.memory_space<vmem>>
        %dma_start3A_28 = tpu.memref_slice %arg3[%mul3A_2] : memref<100000xi32, #tpu.memory_space<hbm>> -> memref<3032xi32, #tpu.memory_space<hbm>>
        tpu.enqueue_dma source(%dma_start3A_28 : memref<3032xi32, #tpu.memory_space<hbm>>) target(%dma_start3A_27 : memref<3032xi32, #tpu.memory_space<vmem>>) target_semaphore(%run_scoped3A : memref<!tpu.dma_semaphore, #tpu.memory_space<semaphore_mem>>)
        %dma_wait3A_29 = arith.constant 0 : i32
        %dma_wait3A_30 = tpu.memref_slice %arg5[%dma_wait3A_29] : memref<3128xi32, #tpu.memory_space<vmem>> -> memref<3032xi32, #tpu.memory_space<vmem>>
        %dma_wait3A_31 = tpu.memref_slice %arg3[%mul3A_2] : memref<100000xi32, #tpu.memory_space<hbm>> -> memref<3032xi32, #tpu.memory_space<hbm>>
        %dma_wait3A_32 = arith.constant 0 : i32
        %dma_wait3A_33 = tpu.memref_slice %arg5[%dma_wait3A_32] : memref<3128xi32, #tpu.memory_space<vmem>> -> memref<3032xi32, #tpu.memory_space<vmem>>
        %dma_wait3A_34 = tpu.memref_slice %arg3[%mul3A_2] : memref<100000xi32, #tpu.memory_space<hbm>> -> memref<3032xi32, #tpu.memory_space<hbm>>
        tpu.wait_dma2 semaphore(%run_scoped3A : memref<!tpu.dma_semaphore, #tpu.memory_space<semaphore_mem>>) src(%dma_wait3A_34 : memref<3032xi32, #tpu.memory_space<hbm>>) dst(%dma_wait3A_33 : memref<3032xi32, #tpu.memory_space<vmem>>)
        tpu.yield
      }) : () -> ()
      %dma_start3A = arith.constant 0 : i32
      %dma_start3A_9 = arith.constant 0 : i32
      %dma_start3A_10 = tpu.memref_slice %arg6[%dma_start3A, %dma_start3A_9] : memref<3128x32xf32, #tpu.memory_space<vmem>> -> memref<3032x32xf32, #tpu.memory_space<vmem>>
      %dma_start3A_11 = arith.constant 0 : i32
      %dma_start3A_12 = tpu.memref_slice %arg5[%dma_start3A_11] : memref<3128xi32, #tpu.memory_space<vmem>> -> memref<3032xi32, #tpu.memory_space<vmem>>
      %dma_start3A_13 = arith.constant 0 : i32
      %dma_start3A_14 = arith.constant 0 : i32
      %dma_start3A_15 = tpu.memref_slice %arg2[%dma_start3A_13, %dma_start3A_14] : memref<262144x32xf32, #tpu.memory_space<hbm>> -> memref<262144x32xf32, #tpu.memory_space<hbm>>
      tpu.enqueue_indirect_dma source(%dma_start3A_15 : memref<262144x32xf32, #tpu.memory_space<hbm>>) target(%dma_start3A_10 : memref<3032x32xf32, #tpu.memory_space<vmem>>) offsets(%dma_start3A_12 : memref<3032xi32, #tpu.memory_space<vmem>>) semaphore(%arg7 : memref<!tpu.dma_semaphore, #tpu.memory_space<semaphore_mem>>)
      %dma_wait3A = arith.constant 0 : i32
      %dma_wait3A_16 = arith.constant 0 : i32
      %dma_wait3A_17 = tpu.memref_slice %arg6[%dma_wait3A, %dma_wait3A_16] : memref<3128x32xf32, #tpu.memory_space<vmem>> -> memref<3032x32xf32, #tpu.memory_space<vmem>>
      %dma_wait3A_18 = arith.constant 0 : i32
      %dma_wait3A_19 = tpu.memref_slice %arg5[%dma_wait3A_18] : memref<3128xi32, #tpu.memory_space<vmem>> -> memref<3032xi32, #tpu.memory_space<vmem>>
      %dma_wait3A_20 = arith.constant 0 : i32
      %dma_wait3A_21 = arith.constant 0 : i32
      %dma_wait3A_22 = tpu.memref_slice %arg2[%dma_wait3A_20, %dma_wait3A_21] : memref<262144x32xf32, #tpu.memory_space<hbm>> -> memref<262144x32xf32, #tpu.memory_space<hbm>>
      tpu.wait_indirect_dma semaphore(%arg7 : memref<!tpu.dma_semaphore, #tpu.memory_space<semaphore_mem>>) src(%dma_wait3A_22 : memref<262144x32xf32, #tpu.memory_space<hbm>>) dst(%dma_wait3A_17 : memref<3032x32xf32, #tpu.memory_space<vmem>>)
      "tpu.region"() ({
        %run_scoped3A = tpu.sem_alloc : memref<!tpu.dma_semaphore, #tpu.memory_space<semaphore_mem>>
        %dma_start3A_23 = arith.constant 0 : i32
        %dma_start3A_24 = arith.constant 0 : i32
        %dma_start3A_25 = tpu.memref_slice %arg6[%dma_start3A_23, %dma_start3A_24] : memref<3128x32xf32, #tpu.memory_space<vmem>> -> memref<3032x32xf32, #tpu.memory_space<vmem>>
        %dma_start3A_26 = arith.constant 0 : i32
        %dma_start3A_27 = tpu.memref_slice %arg4[%mul3A_2, %dma_start3A_26] : memref<100000x32xf32, #tpu.memory_space<hbm>> -> memref<3032x32xf32, #tpu.memory_space<hbm>>
        %dma_start3A_28 = arith.constant 0 : i32
        %dma_start3A_29 = tpu.memref_slice %arg4[%mul3A_2, %dma_start3A_28] : memref<100000x32xf32, #tpu.memory_space<hbm>> -> memref<3032x32xf32, #tpu.memory_space<hbm>>
        %dma_start3A_30 = arith.constant 0 : i32
        %dma_start3A_31 = arith.constant 0 : i32
        %dma_start3A_32 = tpu.memref_slice %arg6[%dma_start3A_30, %dma_start3A_31] : memref<3128x32xf32, #tpu.memory_space<vmem>> -> memref<3032x32xf32, #tpu.memory_space<vmem>>
        tpu.enqueue_dma source(%dma_start3A_32 : memref<3032x32xf32, #tpu.memory_space<vmem>>) target(%dma_start3A_29 : memref<3032x32xf32, #tpu.memory_space<hbm>>) target_semaphore(%run_scoped3A : memref<!tpu.dma_semaphore, #tpu.memory_space<semaphore_mem>>)
        %dma_wait3A_33 = arith.constant 0 : i32
        %dma_wait3A_34 = arith.constant 0 : i32
        %dma_wait3A_35 = tpu.memref_slice %arg6[%dma_wait3A_33, %dma_wait3A_34] : memref<3128x32xf32, #tpu.memory_space<vmem>> -> memref<3032x32xf32, #tpu.memory_space<vmem>>
        %dma_wait3A_36 = arith.constant 0 : i32
        %dma_wait3A_37 = tpu.memref_slice %arg4[%mul3A_2, %dma_wait3A_36] : memref<100000x32xf32, #tpu.memory_space<hbm>> -> memref<3032x32xf32, #tpu.memory_space<hbm>>
        %dma_wait3A_38 = arith.constant 0 : i32
        %dma_wait3A_39 = tpu.memref_slice %arg4[%mul3A_2, %dma_wait3A_38] : memref<100000x32xf32, #tpu.memory_space<hbm>> -> memref<3032x32xf32, #tpu.memory_space<hbm>>
        %dma_wait3A_40 = arith.constant 0 : i32
        %dma_wait3A_41 = arith.constant 0 : i32
        %dma_wait3A_42 = tpu.memref_slice %arg6[%dma_wait3A_40, %dma_wait3A_41] : memref<3128x32xf32, #tpu.memory_space<vmem>> -> memref<3032x32xf32, #tpu.memory_space<vmem>>
        tpu.wait_dma2 semaphore(%run_scoped3A : memref<!tpu.dma_semaphore, #tpu.memory_space<semaphore_mem>>) src(%dma_wait3A_42 : memref<3032x32xf32, #tpu.memory_space<vmem>>) dst(%dma_wait3A_39 : memref<3032x32xf32, #tpu.memory_space<hbm>>)
        tpu.yield
      }) : () -> ()
    } else {
    }
    return
  }
}

#map = affine_map<(d0, d1) -> (0, 0)>
#map1 = affine_map<(d0, d1) -> (0)>
module attributes {stable_mosaic.version = 14 : i64} {
  func.func @densify_kernel(%arg0: i32, %arg1: i32, %arg2: memref<104096x32xf32, #tpu.memory_space<hbm>>, %arg3: memref<331776xi32, #tpu.memory_space<hbm>>, %arg4: memref<331776x32xf32, #tpu.memory_space<hbm>>, %arg5: memref<2592xi32, #tpu.memory_space<vmem>>, %arg6: memref<2592x32xf32, #tpu.memory_space<vmem>>, %arg7: memref<!tpu.dma_semaphore, #tpu.memory_space<semaphore_mem>>) attributes {dimension_semantics = [#tpu.dimension_semantics<core_parallel>, #tpu.dimension_semantics<subcore_parallel>], iteration_bounds = array<i64: 2, 16>, scalar_prefetch = 0 : i64, scratch_operands = 3 : i64, tpu.core_type = #tpu.core_type<sc_vector_subcore>, window_params = [{transform_indices = #map}, {transform_indices = #map1}, {transform_indices = #map}]} {
    %mul3A = arith.constant 2 : i32
    %mul3A_0 = arith.muli %arg1, %mul3A : i32
    %add3A = arith.addi %mul3A_0, %arg0 : i32
    %mul3A_1 = arith.constant 10368 : i32
    %mul3A_2 = arith.muli %add3A, %mul3A_1 : i32
    %iota3A = tpu.iota {dimensions = array<i32: 0>} : vector<16xi32>
    %add3A_3 = arith.constant 0 : i32
    %add3A_4 = arith.addi %mul3A_2, %add3A_3 : i32
    "tpu.region"() ({
      %run_scoped3A = tpu.sem_alloc : memref<!tpu.dma_semaphore, #tpu.memory_space<semaphore_mem>>
      %dma_start3A_56 = tpu.memref_slice %arg3[%add3A_4] : memref<331776xi32, #tpu.memory_space<hbm>> -> memref<2592xi32, #tpu.memory_space<hbm>>
      %dma_start3A_57 = tpu.memref_slice %arg3[%add3A_4] : memref<331776xi32, #tpu.memory_space<hbm>> -> memref<2592xi32, #tpu.memory_space<hbm>>
      tpu.enqueue_dma source(%dma_start3A_57 : memref<2592xi32, #tpu.memory_space<hbm>>) target(%arg5 : memref<2592xi32, #tpu.memory_space<vmem>>) target_semaphore(%run_scoped3A : memref<!tpu.dma_semaphore, #tpu.memory_space<semaphore_mem>>)
      %dma_wait3A_58 = tpu.memref_slice %arg3[%add3A_4] : memref<331776xi32, #tpu.memory_space<hbm>> -> memref<2592xi32, #tpu.memory_space<hbm>>
      %dma_wait3A_59 = tpu.memref_slice %arg3[%add3A_4] : memref<331776xi32, #tpu.memory_space<hbm>> -> memref<2592xi32, #tpu.memory_space<hbm>>
      tpu.wait_dma2 semaphore(%run_scoped3A : memref<!tpu.dma_semaphore, #tpu.memory_space<semaphore_mem>>) src(%dma_wait3A_59 : memref<2592xi32, #tpu.memory_space<hbm>>) dst(%arg5 : memref<2592xi32, #tpu.memory_space<vmem>>)
      tpu.yield
    }) : () -> ()
    %scan3A = arith.constant 0 : i32
    %scan3A_5 = arith.constant 0 : i32
    %scan3A_6 = arith.constant 162 : i32
    %scan3A_7 = arith.addi %scan3A_5, %scan3A_6 : i32
    %scan3A_8 = arith.constant 1 : i32
    scf.for %scan3A_56 = %scan3A_5 to %scan3A_7 step %scan3A_8  : i32 {
      %mul3A_57 = arith.constant 16 : i32
      %mul3A_58 = arith.muli %scan3A_56, %mul3A_57 : i32
      %get3A = arith.index_cast %mul3A_58 : i32 to index
      %get3A_59 = tpu.vector_load %arg5[%get3A] {strides = array<i32>} : memref<2592xi32, #tpu.memory_space<vmem>>, vector<16xi32>,
      %get3A_60 = vector.shape_cast %get3A_59 : vector<16xi32> to vector<16xi32>
      %mul3A_61 = arith.constant 16 : i32
      %mul3A_62 = arith.muli %scan3A_56, %mul3A_61 : i32
      %add3A_63 = arith.addi %add3A_4, %mul3A_62 : i32
      %add3A_64 = vector.broadcast %add3A_63 : i32 to vector<16xi32>
      %add3A_65 = arith.addi %add3A_64, %iota3A : vector<16xi32>
      %and3A = arith.constant 4095 : i32
      %and3A_66 = vector.broadcast %and3A : i32 to vector<16xi32>
      %and3A_67 = arith.andi %add3A_65, %and3A_66 : vector<16xi32>
      %add3A_68 = arith.constant 100000 : i32
      %add3A_69 = vector.broadcast %add3A_68 : i32 to vector<16xi32>
      %add3A_70 = arith.addi %add3A_69, %and3A_67 : vector<16xi32>
      %eq3A = arith.constant 100000 : i32
      %eq3A_71 = vector.broadcast %eq3A : i32 to vector<16xi32>
      %eq3A_72 = arith.cmpi eq, %get3A_60, %eq3A_71 : vector<16xi32>
      %select_n3A = arith.select %eq3A_72, %add3A_70, %get3A_60 : vector<16xi1>, vector<16xi32>
      %mul3A_73 = arith.constant 16 : i32
      %mul3A_74 = arith.muli %scan3A_56, %mul3A_73 : i32
      %swap3A = arith.index_cast %mul3A_74 : i32 to index
      %swap3A_75 = tpu.vector_load %arg5[%swap3A] {strides = array<i32>} : memref<2592xi32, #tpu.memory_space<vmem>>, vector<16xi32>,
      %swap3A_76 = vector.shape_cast %swap3A_75 : vector<16xi32> to vector<16xi32>
      %swap3A_77 = vector.shape_cast %select_n3A : vector<16xi32> to vector<16xi32>
      tpu.vector_store %arg5[%swap3A], %swap3A_77 {strides = array<i32>} : memref<2592xi32, #tpu.memory_space<vmem>>, vector<16xi32>,
    }
    %scan3A_9 = arith.constant 162 : i32
    %dma_start3A = arith.constant 0 : i32
    %dma_start3A_10 = arith.constant 0 : i32
    %dma_start3A_11 = tpu.memref_slice %arg2[%dma_start3A, %dma_start3A_10] : memref<104096x32xf32, #tpu.memory_space<hbm>> -> memref<104096x32xf32, #tpu.memory_space<hbm>>
    tpu.enqueue_indirect_dma source(%dma_start3A_11 : memref<104096x32xf32, #tpu.memory_space<hbm>>) target(%arg6 : memref<2592x32xf32, #tpu.memory_space<vmem>>) offsets(%arg5 : memref<2592xi32, #tpu.memory_space<vmem>>) semaphore(%arg7 : memref<!tpu.dma_semaphore, #tpu.memory_space<semaphore_mem>>)
    %dma_wait3A = arith.constant 0 : i32
    %dma_wait3A_12 = arith.constant 0 : i32
    %dma_wait3A_13 = tpu.memref_slice %arg2[%dma_wait3A, %dma_wait3A_12] : memref<104096x32xf32, #tpu.memory_space<hbm>> -> memref<104096x32xf32, #tpu.memory_space<hbm>>
    tpu.wait_indirect_dma semaphore(%arg7 : memref<!tpu.dma_semaphore, #tpu.memory_space<semaphore_mem>>) src(%dma_wait3A_13 : memref<104096x32xf32, #tpu.memory_space<hbm>>) dst(%arg6 : memref<2592x32xf32, #tpu.memory_space<vmem>>)
    "tpu.region"() ({
      %run_scoped3A = tpu.sem_alloc : memref<!tpu.dma_semaphore, #tpu.memory_space<semaphore_mem>>
      %dma_start3A_56 = arith.constant 0 : i32
      %dma_start3A_57 = tpu.memref_slice %arg4[%add3A_4, %dma_start3A_56] : memref<331776x32xf32, #tpu.memory_space<hbm>> -> memref<2592x32xf32, #tpu.memory_space<hbm>>
      %dma_start3A_58 = arith.constant 0 : i32
      %dma_start3A_59 = tpu.memref_slice %arg4[%add3A_4, %dma_start3A_58] : memref<331776x32xf32, #tpu.memory_space<hbm>> -> memref<2592x32xf32, #tpu.memory_space<hbm>>
      tpu.enqueue_dma source(%arg6 : memref<2592x32xf32, #tpu.memory_space<vmem>>) target(%dma_start3A_59 : memref<2592x32xf32, #tpu.memory_space<hbm>>) target_semaphore(%run_scoped3A : memref<!tpu.dma_semaphore, #tpu.memory_space<semaphore_mem>>)
      %dma_wait3A_60 = arith.constant 0 : i32
      %dma_wait3A_61 = tpu.memref_slice %arg4[%add3A_4, %dma_wait3A_60] : memref<331776x32xf32, #tpu.memory_space<hbm>> -> memref<2592x32xf32, #tpu.memory_space<hbm>>
      %dma_wait3A_62 = arith.constant 0 : i32
      %dma_wait3A_63 = tpu.memref_slice %arg4[%add3A_4, %dma_wait3A_62] : memref<331776x32xf32, #tpu.memory_space<hbm>> -> memref<2592x32xf32, #tpu.memory_space<hbm>>
      tpu.wait_dma2 semaphore(%run_scoped3A : memref<!tpu.dma_semaphore, #tpu.memory_space<semaphore_mem>>) src(%arg6 : memref<2592x32xf32, #tpu.memory_space<vmem>>) dst(%dma_wait3A_63 : memref<2592x32xf32, #tpu.memory_space<hbm>>)
      tpu.yield
    }) : () -> ()
    %add3A_14 = arith.constant 2592 : i32
    %add3A_15 = arith.addi %mul3A_2, %add3A_14 : i32
    "tpu.region"() ({
      %run_scoped3A = tpu.sem_alloc : memref<!tpu.dma_semaphore, #tpu.memory_space<semaphore_mem>>
      %dma_start3A_56 = tpu.memref_slice %arg3[%add3A_15] : memref<331776xi32, #tpu.memory_space<hbm>> -> memref<2592xi32, #tpu.memory_space<hbm>>
      %dma_start3A_57 = tpu.memref_slice %arg3[%add3A_15] : memref<331776xi32, #tpu.memory_space<hbm>> -> memref<2592xi32, #tpu.memory_space<hbm>>
      tpu.enqueue_dma source(%dma_start3A_57 : memref<2592xi32, #tpu.memory_space<hbm>>) target(%arg5 : memref<2592xi32, #tpu.memory_space<vmem>>) target_semaphore(%run_scoped3A : memref<!tpu.dma_semaphore, #tpu.memory_space<semaphore_mem>>)
      %dma_wait3A_58 = tpu.memref_slice %arg3[%add3A_15] : memref<331776xi32, #tpu.memory_space<hbm>> -> memref<2592xi32, #tpu.memory_space<hbm>>
      %dma_wait3A_59 = tpu.memref_slice %arg3[%add3A_15] : memref<331776xi32, #tpu.memory_space<hbm>> -> memref<2592xi32, #tpu.memory_space<hbm>>
      tpu.wait_dma2 semaphore(%run_scoped3A : memref<!tpu.dma_semaphore, #tpu.memory_space<semaphore_mem>>) src(%dma_wait3A_59 : memref<2592xi32, #tpu.memory_space<hbm>>) dst(%arg5 : memref<2592xi32, #tpu.memory_space<vmem>>)
      tpu.yield
    }) : () -> ()
    %scan3A_16 = arith.constant 0 : i32
    %scan3A_17 = arith.constant 0 : i32
    %scan3A_18 = arith.constant 162 : i32
    %scan3A_19 = arith.addi %scan3A_17, %scan3A_18 : i32
    %scan3A_20 = arith.constant 1 : i32
    scf.for %scan3A_56 = %scan3A_17 to %scan3A_19 step %scan3A_20  : i32 {
      %mul3A_57 = arith.constant 16 : i32
      %mul3A_58 = arith.muli %scan3A_56, %mul3A_57 : i32
      %get3A = arith.index_cast %mul3A_58 : i32 to index
      %get3A_59 = tpu.vector_load %arg5[%get3A] {strides = array<i32>} : memref<2592xi32, #tpu.memory_space<vmem>>, vector<16xi32>,
      %get3A_60 = vector.shape_cast %get3A_59 : vector<16xi32> to vector<16xi32>
      %mul3A_61 = arith.constant 16 : i32
      %mul3A_62 = arith.muli %scan3A_56, %mul3A_61 : i32
      %add3A_63 = arith.addi %add3A_15, %mul3A_62 : i32
      %add3A_64 = vector.broadcast %add3A_63 : i32 to vector<16xi32>
      %add3A_65 = arith.addi %add3A_64, %iota3A : vector<16xi32>
      %and3A = arith.constant 4095 : i32
      %and3A_66 = vector.broadcast %and3A : i32 to vector<16xi32>
      %and3A_67 = arith.andi %add3A_65, %and3A_66 : vector<16xi32>
      %add3A_68 = arith.constant 100000 : i32
      %add3A_69 = vector.broadcast %add3A_68 : i32 to vector<16xi32>
      %add3A_70 = arith.addi %add3A_69, %and3A_67 : vector<16xi32>
      %eq3A = arith.constant 100000 : i32
      %eq3A_71 = vector.broadcast %eq3A : i32 to vector<16xi32>
      %eq3A_72 = arith.cmpi eq, %get3A_60, %eq3A_71 : vector<16xi32>
      %select_n3A = arith.select %eq3A_72, %add3A_70, %get3A_60 : vector<16xi1>, vector<16xi32>
      %mul3A_73 = arith.constant 16 : i32
      %mul3A_74 = arith.muli %scan3A_56, %mul3A_73 : i32
      %swap3A = arith.index_cast %mul3A_74 : i32 to index
      %swap3A_75 = tpu.vector_load %arg5[%swap3A] {strides = array<i32>} : memref<2592xi32, #tpu.memory_space<vmem>>, vector<16xi32>,
      %swap3A_76 = vector.shape_cast %swap3A_75 : vector<16xi32> to vector<16xi32>
      %swap3A_77 = vector.shape_cast %select_n3A : vector<16xi32> to vector<16xi32>
      tpu.vector_store %arg5[%swap3A], %swap3A_77 {strides = array<i32>} : memref<2592xi32, #tpu.memory_space<vmem>>, vector<16xi32>,
    }
    %scan3A_21 = arith.constant 162 : i32
    %dma_start3A_22 = arith.constant 0 : i32
    %dma_start3A_23 = arith.constant 0 : i32
    %dma_start3A_24 = tpu.memref_slice %arg2[%dma_start3A_22, %dma_start3A_23] : memref<104096x32xf32, #tpu.memory_space<hbm>> -> memref<104096x32xf32, #tpu.memory_space<hbm>>
    tpu.enqueue_indirect_dma source(%dma_start3A_24 : memref<104096x32xf32, #tpu.memory_space<hbm>>) target(%arg6 : memref<2592x32xf32, #tpu.memory_space<vmem>>) offsets(%arg5 : memref<2592xi32, #tpu.memory_space<vmem>>) semaphore(%arg7 : memref<!tpu.dma_semaphore, #tpu.memory_space<semaphore_mem>>)
    %dma_wait3A_25 = arith.constant 0 : i32
    %dma_wait3A_26 = arith.constant 0 : i32
    %dma_wait3A_27 = tpu.memref_slice %arg2[%dma_wait3A_25, %dma_wait3A_26] : memref<104096x32xf32, #tpu.memory_space<hbm>> -> memref<104096x32xf32, #tpu.memory_space<hbm>>
    tpu.wait_indirect_dma semaphore(%arg7 : memref<!tpu.dma_semaphore, #tpu.memory_space<semaphore_mem>>) src(%dma_wait3A_27 : memref<104096x32xf32, #tpu.memory_space<hbm>>) dst(%arg6 : memref<2592x32xf32, #tpu.memory_space<vmem>>)
    "tpu.region"() ({
      %run_scoped3A = tpu.sem_alloc : memref<!tpu.dma_semaphore, #tpu.memory_space<semaphore_mem>>
      %dma_start3A_56 = arith.constant 0 : i32
      %dma_start3A_57 = tpu.memref_slice %arg4[%add3A_15, %dma_start3A_56] : memref<331776x32xf32, #tpu.memory_space<hbm>> -> memref<2592x32xf32, #tpu.memory_space<hbm>>
      %dma_start3A_58 = arith.constant 0 : i32
      %dma_start3A_59 = tpu.memref_slice %arg4[%add3A_15, %dma_start3A_58] : memref<331776x32xf32, #tpu.memory_space<hbm>> -> memref<2592x32xf32, #tpu.memory_space<hbm>>
      tpu.enqueue_dma source(%arg6 : memref<2592x32xf32, #tpu.memory_space<vmem>>) target(%dma_start3A_59 : memref<2592x32xf32, #tpu.memory_space<hbm>>) target_semaphore(%run_scoped3A : memref<!tpu.dma_semaphore, #tpu.memory_space<semaphore_mem>>)
      %dma_wait3A_60 = arith.constant 0 : i32
      %dma_wait3A_61 = tpu.memref_slice %arg4[%add3A_15, %dma_wait3A_60] : memref<331776x32xf32, #tpu.memory_space<hbm>> -> memref<2592x32xf32, #tpu.memory_space<hbm>>
      %dma_wait3A_62 = arith.constant 0 : i32
      %dma_wait3A_63 = tpu.memref_slice %arg4[%add3A_15, %dma_wait3A_62] : memref<331776x32xf32, #tpu.memory_space<hbm>> -> memref<2592x32xf32, #tpu.memory_space<hbm>>
      tpu.wait_dma2 semaphore(%run_scoped3A : memref<!tpu.dma_semaphore, #tpu.memory_space<semaphore_mem>>) src(%arg6 : memref<2592x32xf32, #tpu.memory_space<vmem>>) dst(%dma_wait3A_63 : memref<2592x32xf32, #tpu.memory_space<hbm>>)
      tpu.yield
    }) : () -> ()
    %add3A_28 = arith.constant 5184 : i32
    %add3A_29 = arith.addi %mul3A_2, %add3A_28 : i32
    "tpu.region"() ({
      %run_scoped3A = tpu.sem_alloc : memref<!tpu.dma_semaphore, #tpu.memory_space<semaphore_mem>>
      %dma_start3A_56 = tpu.memref_slice %arg3[%add3A_29] : memref<331776xi32, #tpu.memory_space<hbm>> -> memref<2592xi32, #tpu.memory_space<hbm>>
      %dma_start3A_57 = tpu.memref_slice %arg3[%add3A_29] : memref<331776xi32, #tpu.memory_space<hbm>> -> memref<2592xi32, #tpu.memory_space<hbm>>
      tpu.enqueue_dma source(%dma_start3A_57 : memref<2592xi32, #tpu.memory_space<hbm>>) target(%arg5 : memref<2592xi32, #tpu.memory_space<vmem>>) target_semaphore(%run_scoped3A : memref<!tpu.dma_semaphore, #tpu.memory_space<semaphore_mem>>)
      %dma_wait3A_58 = tpu.memref_slice %arg3[%add3A_29] : memref<331776xi32, #tpu.memory_space<hbm>> -> memref<2592xi32, #tpu.memory_space<hbm>>
      %dma_wait3A_59 = tpu.memref_slice %arg3[%add3A_29] : memref<331776xi32, #tpu.memory_space<hbm>> -> memref<2592xi32, #tpu.memory_space<hbm>>
      tpu.wait_dma2 semaphore(%run_scoped3A : memref<!tpu.dma_semaphore, #tpu.memory_space<semaphore_mem>>) src(%dma_wait3A_59 : memref<2592xi32, #tpu.memory_space<hbm>>) dst(%arg5 : memref<2592xi32, #tpu.memory_space<vmem>>)
      tpu.yield
    }) : () -> ()
    %scan3A_30 = arith.constant 0 : i32
    %scan3A_31 = arith.constant 0 : i32
    %scan3A_32 = arith.constant 162 : i32
    %scan3A_33 = arith.addi %scan3A_31, %scan3A_32 : i32
    %scan3A_34 = arith.constant 1 : i32
    scf.for %scan3A_56 = %scan3A_31 to %scan3A_33 step %scan3A_34  : i32 {
      %mul3A_57 = arith.constant 16 : i32
      %mul3A_58 = arith.muli %scan3A_56, %mul3A_57 : i32
      %get3A = arith.index_cast %mul3A_58 : i32 to index
      %get3A_59 = tpu.vector_load %arg5[%get3A] {strides = array<i32>} : memref<2592xi32, #tpu.memory_space<vmem>>, vector<16xi32>,
      %get3A_60 = vector.shape_cast %get3A_59 : vector<16xi32> to vector<16xi32>
      %mul3A_61 = arith.constant 16 : i32
      %mul3A_62 = arith.muli %scan3A_56, %mul3A_61 : i32
      %add3A_63 = arith.addi %add3A_29, %mul3A_62 : i32
      %add3A_64 = vector.broadcast %add3A_63 : i32 to vector<16xi32>
      %add3A_65 = arith.addi %add3A_64, %iota3A : vector<16xi32>
      %and3A = arith.constant 4095 : i32
      %and3A_66 = vector.broadcast %and3A : i32 to vector<16xi32>
      %and3A_67 = arith.andi %add3A_65, %and3A_66 : vector<16xi32>
      %add3A_68 = arith.constant 100000 : i32
      %add3A_69 = vector.broadcast %add3A_68 : i32 to vector<16xi32>
      %add3A_70 = arith.addi %add3A_69, %and3A_67 : vector<16xi32>
      %eq3A = arith.constant 100000 : i32
      %eq3A_71 = vector.broadcast %eq3A : i32 to vector<16xi32>
      %eq3A_72 = arith.cmpi eq, %get3A_60, %eq3A_71 : vector<16xi32>
      %select_n3A = arith.select %eq3A_72, %add3A_70, %get3A_60 : vector<16xi1>, vector<16xi32>
      %mul3A_73 = arith.constant 16 : i32
      %mul3A_74 = arith.muli %scan3A_56, %mul3A_73 : i32
      %swap3A = arith.index_cast %mul3A_74 : i32 to index
      %swap3A_75 = tpu.vector_load %arg5[%swap3A] {strides = array<i32>} : memref<2592xi32, #tpu.memory_space<vmem>>, vector<16xi32>,
      %swap3A_76 = vector.shape_cast %swap3A_75 : vector<16xi32> to vector<16xi32>
      %swap3A_77 = vector.shape_cast %select_n3A : vector<16xi32> to vector<16xi32>
      tpu.vector_store %arg5[%swap3A], %swap3A_77 {strides = array<i32>} : memref<2592xi32, #tpu.memory_space<vmem>>, vector<16xi32>,
    }
    %scan3A_35 = arith.constant 162 : i32
    %dma_start3A_36 = arith.constant 0 : i32
    %dma_start3A_37 = arith.constant 0 : i32
    %dma_start3A_38 = tpu.memref_slice %arg2[%dma_start3A_36, %dma_start3A_37] : memref<104096x32xf32, #tpu.memory_space<hbm>> -> memref<104096x32xf32, #tpu.memory_space<hbm>>
    tpu.enqueue_indirect_dma source(%dma_start3A_38 : memref<104096x32xf32, #tpu.memory_space<hbm>>) target(%arg6 : memref<2592x32xf32, #tpu.memory_space<vmem>>) offsets(%arg5 : memref<2592xi32, #tpu.memory_space<vmem>>) semaphore(%arg7 : memref<!tpu.dma_semaphore, #tpu.memory_space<semaphore_mem>>)
    %dma_wait3A_39 = arith.constant 0 : i32
    %dma_wait3A_40 = arith.constant 0 : i32
    %dma_wait3A_41 = tpu.memref_slice %arg2[%dma_wait3A_39, %dma_wait3A_40] : memref<104096x32xf32, #tpu.memory_space<hbm>> -> memref<104096x32xf32, #tpu.memory_space<hbm>>
    tpu.wait_indirect_dma semaphore(%arg7 : memref<!tpu.dma_semaphore, #tpu.memory_space<semaphore_mem>>) src(%dma_wait3A_41 : memref<104096x32xf32, #tpu.memory_space<hbm>>) dst(%arg6 : memref<2592x32xf32, #tpu.memory_space<vmem>>)
    "tpu.region"() ({
      %run_scoped3A = tpu.sem_alloc : memref<!tpu.dma_semaphore, #tpu.memory_space<semaphore_mem>>
      %dma_start3A_56 = arith.constant 0 : i32
      %dma_start3A_57 = tpu.memref_slice %arg4[%add3A_29, %dma_start3A_56] : memref<331776x32xf32, #tpu.memory_space<hbm>> -> memref<2592x32xf32, #tpu.memory_space<hbm>>
      %dma_start3A_58 = arith.constant 0 : i32
      %dma_start3A_59 = tpu.memref_slice %arg4[%add3A_29, %dma_start3A_58] : memref<331776x32xf32, #tpu.memory_space<hbm>> -> memref<2592x32xf32, #tpu.memory_space<hbm>>
      tpu.enqueue_dma source(%arg6 : memref<2592x32xf32, #tpu.memory_space<vmem>>) target(%dma_start3A_59 : memref<2592x32xf32, #tpu.memory_space<hbm>>) target_semaphore(%run_scoped3A : memref<!tpu.dma_semaphore, #tpu.memory_space<semaphore_mem>>)
      %dma_wait3A_60 = arith.constant 0 : i32
      %dma_wait3A_61 = tpu.memref_slice %arg4[%add3A_29, %dma_wait3A_60] : memref<331776x32xf32, #tpu.memory_space<hbm>> -> memref<2592x32xf32, #tpu.memory_space<hbm>>
      %dma_wait3A_62 = arith.constant 0 : i32
      %dma_wait3A_63 = tpu.memref_slice %arg4[%add3A_29, %dma_wait3A_62] : memref<331776x32xf32, #tpu.memory_space<hbm>> -> memref<2592x32xf32, #tpu.memory_space<hbm>>
      tpu.wait_dma2 semaphore(%run_scoped3A : memref<!tpu.dma_semaphore, #tpu.memory_space<semaphore_mem>>) src(%arg6 : memref<2592x32xf32, #tpu.memory_space<vmem>>) dst(%dma_wait3A_63 : memref<2592x32xf32, #tpu.memory_space<hbm>>)
      tpu.yield
    }) : () -> ()
    %add3A_42 = arith.constant 7776 : i32
    %add3A_43 = arith.addi %mul3A_2, %add3A_42 : i32
    "tpu.region"() ({
      %run_scoped3A = tpu.sem_alloc : memref<!tpu.dma_semaphore, #tpu.memory_space<semaphore_mem>>
      %dma_start3A_56 = tpu.memref_slice %arg3[%add3A_43] : memref<331776xi32, #tpu.memory_space<hbm>> -> memref<2592xi32, #tpu.memory_space<hbm>>
      %dma_start3A_57 = tpu.memref_slice %arg3[%add3A_43] : memref<331776xi32, #tpu.memory_space<hbm>> -> memref<2592xi32, #tpu.memory_space<hbm>>
      tpu.enqueue_dma source(%dma_start3A_57 : memref<2592xi32, #tpu.memory_space<hbm>>) target(%arg5 : memref<2592xi32, #tpu.memory_space<vmem>>) target_semaphore(%run_scoped3A : memref<!tpu.dma_semaphore, #tpu.memory_space<semaphore_mem>>)
      %dma_wait3A_58 = tpu.memref_slice %arg3[%add3A_43] : memref<331776xi32, #tpu.memory_space<hbm>> -> memref<2592xi32, #tpu.memory_space<hbm>>
      %dma_wait3A_59 = tpu.memref_slice %arg3[%add3A_43] : memref<331776xi32, #tpu.memory_space<hbm>> -> memref<2592xi32, #tpu.memory_space<hbm>>
      tpu.wait_dma2 semaphore(%run_scoped3A : memref<!tpu.dma_semaphore, #tpu.memory_space<semaphore_mem>>) src(%dma_wait3A_59 : memref<2592xi32, #tpu.memory_space<hbm>>) dst(%arg5 : memref<2592xi32, #tpu.memory_space<vmem>>)
      tpu.yield
    }) : () -> ()
    %scan3A_44 = arith.constant 0 : i32
    %scan3A_45 = arith.constant 0 : i32
    %scan3A_46 = arith.constant 162 : i32
    %scan3A_47 = arith.addi %scan3A_45, %scan3A_46 : i32
    %scan3A_48 = arith.constant 1 : i32
    scf.for %scan3A_56 = %scan3A_45 to %scan3A_47 step %scan3A_48  : i32 {
      %mul3A_57 = arith.constant 16 : i32
      %mul3A_58 = arith.muli %scan3A_56, %mul3A_57 : i32
      %get3A = arith.index_cast %mul3A_58 : i32 to index
      %get3A_59 = tpu.vector_load %arg5[%get3A] {strides = array<i32>} : memref<2592xi32, #tpu.memory_space<vmem>>, vector<16xi32>,
      %get3A_60 = vector.shape_cast %get3A_59 : vector<16xi32> to vector<16xi32>
      %mul3A_61 = arith.constant 16 : i32
      %mul3A_62 = arith.muli %scan3A_56, %mul3A_61 : i32
      %add3A_63 = arith.addi %add3A_43, %mul3A_62 : i32
      %add3A_64 = vector.broadcast %add3A_63 : i32 to vector<16xi32>
      %add3A_65 = arith.addi %add3A_64, %iota3A : vector<16xi32>
      %and3A = arith.constant 4095 : i32
      %and3A_66 = vector.broadcast %and3A : i32 to vector<16xi32>
      %and3A_67 = arith.andi %add3A_65, %and3A_66 : vector<16xi32>
      %add3A_68 = arith.constant 100000 : i32
      %add3A_69 = vector.broadcast %add3A_68 : i32 to vector<16xi32>
      %add3A_70 = arith.addi %add3A_69, %and3A_67 : vector<16xi32>
      %eq3A = arith.constant 100000 : i32
      %eq3A_71 = vector.broadcast %eq3A : i32 to vector<16xi32>
      %eq3A_72 = arith.cmpi eq, %get3A_60, %eq3A_71 : vector<16xi32>
      %select_n3A = arith.select %eq3A_72, %add3A_70, %get3A_60 : vector<16xi1>, vector<16xi32>
      %mul3A_73 = arith.constant 16 : i32
      %mul3A_74 = arith.muli %scan3A_56, %mul3A_73 : i32
      %swap3A = arith.index_cast %mul3A_74 : i32 to index
      %swap3A_75 = tpu.vector_load %arg5[%swap3A] {strides = array<i32>} : memref<2592xi32, #tpu.memory_space<vmem>>, vector<16xi32>,
      %swap3A_76 = vector.shape_cast %swap3A_75 : vector<16xi32> to vector<16xi32>
      %swap3A_77 = vector.shape_cast %select_n3A : vector<16xi32> to vector<16xi32>
      tpu.vector_store %arg5[%swap3A], %swap3A_77 {strides = array<i32>} : memref<2592xi32, #tpu.memory_space<vmem>>, vector<16xi32>,
    }
    %scan3A_49 = arith.constant 162 : i32
    %dma_start3A_50 = arith.constant 0 : i32
    %dma_start3A_51 = arith.constant 0 : i32
    %dma_start3A_52 = tpu.memref_slice %arg2[%dma_start3A_50, %dma_start3A_51] : memref<104096x32xf32, #tpu.memory_space<hbm>> -> memref<104096x32xf32, #tpu.memory_space<hbm>>
    tpu.enqueue_indirect_dma source(%dma_start3A_52 : memref<104096x32xf32, #tpu.memory_space<hbm>>) target(%arg6 : memref<2592x32xf32, #tpu.memory_space<vmem>>) offsets(%arg5 : memref<2592xi32, #tpu.memory_space<vmem>>) semaphore(%arg7 : memref<!tpu.dma_semaphore, #tpu.memory_space<semaphore_mem>>)
    %dma_wait3A_53 = arith.constant 0 : i32
    %dma_wait3A_54 = arith.constant 0 : i32
    %dma_wait3A_55 = tpu.memref_slice %arg2[%dma_wait3A_53, %dma_wait3A_54] : memref<104096x32xf32, #tpu.memory_space<hbm>> -> memref<104096x32xf32, #tpu.memory_space<hbm>>
    tpu.wait_indirect_dma semaphore(%arg7 : memref<!tpu.dma_semaphore, #tpu.memory_space<semaphore_mem>>) src(%dma_wait3A_55 : memref<104096x32xf32, #tpu.memory_space<hbm>>) dst(%arg6 : memref<2592x32xf32, #tpu.memory_space<vmem>>)
    "tpu.region"() ({
      %run_scoped3A = tpu.sem_alloc : memref<!tpu.dma_semaphore, #tpu.memory_space<semaphore_mem>>
      %dma_start3A_56 = arith.constant 0 : i32
      %dma_start3A_57 = tpu.memref_slice %arg4[%add3A_43, %dma_start3A_56] : memref<331776x32xf32, #tpu.memory_space<hbm>> -> memref<2592x32xf32, #tpu.memory_space<hbm>>
      %dma_start3A_58 = arith.constant 0 : i32
      %dma_start3A_59 = tpu.memref_slice %arg4[%add3A_43, %dma_start3A_58] : memref<331776x32xf32, #tpu.memory_space<hbm>> -> memref<2592x32xf32, #tpu.memory_space<hbm>>
      tpu.enqueue_dma source(%arg6 : memref<2592x32xf32, #tpu.memory_space<vmem>>) target(%dma_start3A_59 : memref<2592x32xf32, #tpu.memory_space<hbm>>) target_semaphore(%run_scoped3A : memref<!tpu.dma_semaphore, #tpu.memory_space<semaphore_mem>>)
      %dma_wait3A_60 = arith.constant 0 : i32
      %dma_wait3A_61 = tpu.memref_slice %arg4[%add3A_43, %dma_wait3A_60] : memref<331776x32xf32, #tpu.memory_space<hbm>> -> memref<2592x32xf32, #tpu.memory_space<hbm>>
      %dma_wait3A_62 = arith.constant 0 : i32
      %dma_wait3A_63 = tpu.memref_slice %arg4[%add3A_43, %dma_wait3A_62] : memref<331776x32xf32, #tpu.memory_space<hbm>> -> memref<2592x32xf32, #tpu.memory_space<hbm>>
      tpu.wait_dma2 semaphore(%run_scoped3A : memref<!tpu.dma_semaphore, #tpu.memory_space<semaphore_mem>>) src(%arg6 : memref<2592x32xf32, #tpu.memory_space<vmem>>) dst(%dma_wait3A_63 : memref<2592x32xf32, #tpu.memory_space<hbm>>)
      tpu.yield
    }) : () -> ()
    return
  }
}

module attributes {stable_mosaic.version = 14 : i64} {
  func.func @_conv_body(%arg0: i32, %arg1: memref<3x288x32xbf16, #tpu.memory_space<vmem>>, %arg2: memref<1x32xf32, #tpu.memory_space<vmem>>, %arg3: memref<5184x32xf32, #tpu.memory_space<vmem>>, %arg4: memref<4096x32xf32, #tpu.memory_space<vmem>>, %arg5: memref<3x4096x288xbf16, #tpu.memory_space<vmem>>) attributes {dimension_semantics = [#tpu.dimension_semantics<arbitrary>], iteration_bounds = array<i64: 65>, scalar_prefetch = 0 : i64, scratch_operands = 1 : i64, tpu.core_type = #tpu.core_type<tc>, window_params = [{pipeline_mode = #tpu.pipeline_mode<synchronous>, transform_indices = @transform_0, window_bounds = array<i64: 3, 288, 32>}, {pipeline_mode = #tpu.pipeline_mode<synchronous>, transform_indices = @transform_1, window_bounds = array<i64: 1, 32>}, {transform_indices = @transform_2, window_bounds = array<i64: 5184, 32>}, {transform_indices = @transform_3, window_bounds = array<i64: 4096, 32>}]} {
    %get3A = arith.constant 0 : index
    %get3A_0 = arith.constant 0 : index
    %get3A_1 = vector.load %arg3[%get3A, %get3A_0] : memref<5184x32xf32, #tpu.memory_space<vmem>>, vector<5184x32xf32>
    %convert_element_type3A = arith.truncf %get3A_1 : vector<5184x32xf32> to vector<5184x32xbf16>
    %reshape3A = vector.shape_cast %convert_element_type3A : vector<5184x32xbf16> to vector<72x72x32xbf16>
    %slice3A = vector.extract_strided_slice %reshape3A {offsets = [3, 3, 0], sizes = [64, 64, 32], strides = [1, 1, 1]} : vector<72x72x32xbf16> to vector<64x64x32xbf16>
    %slice3A_2 = vector.extract_strided_slice %reshape3A {offsets = [3, 4, 0], sizes = [64, 64, 32], strides = [1, 1, 1]} : vector<72x72x32xbf16> to vector<64x64x32xbf16>
    %slice3A_3 = vector.extract_strided_slice %reshape3A {offsets = [3, 5, 0], sizes = [64, 64, 32], strides = [1, 1, 1]} : vector<72x72x32xbf16> to vector<64x64x32xbf16>
    %slice3A_4 = vector.extract_strided_slice %reshape3A {offsets = [4, 3, 0], sizes = [64, 64, 32], strides = [1, 1, 1]} : vector<72x72x32xbf16> to vector<64x64x32xbf16>
    %slice3A_5 = vector.extract_strided_slice %reshape3A {offsets = [4, 4, 0], sizes = [64, 64, 32], strides = [1, 1, 1]} : vector<72x72x32xbf16> to vector<64x64x32xbf16>
    %slice3A_6 = vector.extract_strided_slice %reshape3A {offsets = [4, 5, 0], sizes = [64, 64, 32], strides = [1, 1, 1]} : vector<72x72x32xbf16> to vector<64x64x32xbf16>
    %slice3A_7 = vector.extract_strided_slice %reshape3A {offsets = [5, 3, 0], sizes = [64, 64, 32], strides = [1, 1, 1]} : vector<72x72x32xbf16> to vector<64x64x32xbf16>
    %slice3A_8 = vector.extract_strided_slice %reshape3A {offsets = [5, 4, 0], sizes = [64, 64, 32], strides = [1, 1, 1]} : vector<72x72x32xbf16> to vector<64x64x32xbf16>
    %slice3A_9 = vector.extract_strided_slice %reshape3A {offsets = [5, 5, 0], sizes = [64, 64, 32], strides = [1, 1, 1]} : vector<72x72x32xbf16> to vector<64x64x32xbf16>
    %concatenate3A = tpu.concatenate %slice3A, %slice3A_2, %slice3A_3, %slice3A_4, %slice3A_5, %slice3A_6, %slice3A_7, %slice3A_8, %slice3A_9 in 2 : vector<64x64x32xbf16>, vector<64x64x32xbf16>, vector<64x64x32xbf16>, vector<64x64x32xbf16>, vector<64x64x32xbf16>, vector<64x64x32xbf16>, vector<64x64x32xbf16>, vector<64x64x32xbf16>, vector<64x64x32xbf16> -> vector<64x64x288xbf16>
    %reshape3A_10 = vector.shape_cast %concatenate3A : vector<64x64x288xbf16> to vector<4096x288xbf16>
    %jit3A = arith.constant 3 : i32
    %eq3A = arith.constant 0 : i32
    %eq3A_11 = arith.cmpi eq, %jit3A, %eq3A : i32
    %jit3A_12 = arith.constant 1 : i32
    %select_n3A = arith.select %eq3A_11, %jit3A_12, %jit3A : i32
    %rem3A = arith.remsi %arg0, %select_n3A : i32
    %ne3A = arith.constant 0 : i32
    %ne3A_13 = arith.cmpi ne, %rem3A, %ne3A : i32
    %lt3A = arith.constant 0 : i32
    %lt3A_14 = arith.cmpi slt, %rem3A, %lt3A : i32
    %lt3A_15 = arith.constant 0 : i32
    %lt3A_16 = arith.cmpi slt, %select_n3A, %lt3A_15 : i32
    %ne3A_17 = arith.xori %lt3A_14, %lt3A_16 : i1
    %and3A = arith.andi %ne3A_17, %ne3A_13 : i1
    %add3A = arith.addi %rem3A, %select_n3A : i32
    %select_n3A_18 = arith.select %and3A, %add3A, %rem3A : i32
    %swap3A = arith.index_cast %select_n3A_18 : i32 to index
    %swap3A_19 = arith.constant 0 : index
    %swap3A_20 = arith.constant 0 : index
    %swap3A_21 = vector.load %arg5[%swap3A, %swap3A_19, %swap3A_20] : memref<3x4096x288xbf16, #tpu.memory_space<vmem>>, vector<1x4096x288xbf16>
    %swap3A_22 = vector.shape_cast %swap3A_21 : vector<1x4096x288xbf16> to vector<4096x288xbf16>
    %swap3A_23 = vector.shape_cast %reshape3A_10 : vector<4096x288xbf16> to vector<1x4096x288xbf16>
    tpu.vector_store %arg5[%swap3A, %swap3A_19, %swap3A_20], %swap3A_23 {strides = array<i32>} : memref<3x4096x288xbf16, #tpu.memory_space<vmem>>, vector<1x4096x288xbf16>,
    %ge3A = arith.constant 1 : i32
    %ge3A_24 = arith.cmpi sge, %arg0, %ge3A : i32
    %convert_element_type3A_25 = arith.extui %ge3A_24 : i1 to i32
    %cond3A = arith.constant 0 : i32
    %cond3A_26 = arith.cmpi ne, %convert_element_type3A_25, %cond3A : i32
    scf.if %cond3A_26 {
      %sub3A = arith.constant 1 : i32
      %sub3A_27 = arith.subi %arg0, %sub3A : i32
      %broadcast_in_dim3A = arith.constant 0.000000e+00 : f32
      %broadcast_in_dim3A_28 = vector.broadcast %broadcast_in_dim3A : f32 to vector<4096x32xf32>
      %sub3A_29 = arith.constant 1 : i32
      %sub3A_30 = arith.subi %sub3A_27, %sub3A_29 : i32
      %add3A_31 = arith.constant 0 : i32
      %add3A_32 = arith.addi %sub3A_30, %add3A_31 : i32
      %jit3A_33 = arith.constant 3 : i32
      %eq3A_34 = arith.constant 0 : i32
      %eq3A_35 = arith.cmpi eq, %jit3A_33, %eq3A_34 : i32
      %jit3A_36 = arith.constant 1 : i32
      %select_n3A_37 = arith.select %eq3A_35, %jit3A_36, %jit3A_33 : i32
      %rem3A_38 = arith.remsi %add3A_32, %select_n3A_37 : i32
      %ne3A_39 = arith.constant 0 : i32
      %ne3A_40 = arith.cmpi ne, %rem3A_38, %ne3A_39 : i32
      %lt3A_41 = arith.constant 0 : i32
      %lt3A_42 = arith.cmpi slt, %rem3A_38, %lt3A_41 : i32
      %lt3A_43 = arith.constant 0 : i32
      %lt3A_44 = arith.cmpi slt, %select_n3A_37, %lt3A_43 : i32
      %ne3A_45 = arith.xori %lt3A_42, %lt3A_44 : i1
      %and3A_46 = arith.andi %ne3A_45, %ne3A_40 : i1
      %add3A_47 = arith.addi %rem3A_38, %select_n3A_37 : i32
      %select_n3A_48 = arith.select %and3A_46, %add3A_47, %rem3A_38 : i32
      %get3A_49 = arith.index_cast %select_n3A_48 : i32 to index
      %get3A_50 = arith.constant 0 : index
      %get3A_51 = arith.constant 0 : index
      %get3A_52 = vector.load %arg5[%get3A_49, %get3A_50, %get3A_51] : memref<3x4096x288xbf16, #tpu.memory_space<vmem>>, vector<1x4096x288xbf16>
      %get3A_53 = vector.shape_cast %get3A_52 : vector<1x4096x288xbf16> to vector<4096x288xbf16>
      %get3A_54 = arith.constant 0 : index
      %get3A_55 = arith.constant 0 : index
      %get3A_56 = arith.constant 0 : index
      %get3A_57 = vector.load %arg1[%get3A_54, %get3A_55, %get3A_56] : memref<3x288x32xbf16, #tpu.memory_space<vmem>>, vector<1x288x32xbf16>
      %get3A_58 = vector.shape_cast %get3A_57 : vector<1x288x32xbf16> to vector<288x32xbf16>
      %dot_general3A = arith.constant dense<0.000000e+00> : vector<4096x32xf32>
      %dot_general3A_59 = tpu.matmul %get3A_53, %get3A_58, %dot_general3A {dimension_numbers = #tpu.dot_dimension_numbers<[1], [0], [0], [1], [0, 0, 1, 1], [], []>, transpose_lhs_hint = false} : vector<4096x288xbf16>, vector<288x32xbf16>, vector<4096x32xf32> -> vector<4096x32xf32>
      %gt3A = arith.constant 0 : i32
      %gt3A_60 = arith.cmpi sgt, %sub3A_27, %gt3A : i32
      %jit3A_61 = arith.constant 0.000000e+00 : f32
      %broadcast_in_dim3A_62 = vector.broadcast %jit3A_61 : f32 to vector<4096x32xf32>
      %select_n3A_63 = arith.select %gt3A_60, %dot_general3A_59, %broadcast_in_dim3A_62 : vector<4096x32xf32>
      %add3A_64 = arith.addf %broadcast_in_dim3A_28, %select_n3A_63 : vector<4096x32xf32>
      %sub3A_65 = arith.constant 1 : i32
      %sub3A_66 = arith.subi %sub3A_27, %sub3A_65 : i32
      %add3A_67 = arith.constant 1 : i32
      %add3A_68 = arith.addi %sub3A_66, %add3A_67 : i32
      %jit3A_69 = arith.constant 3 : i32
      %eq3A_70 = arith.constant 0 : i32
      %eq3A_71 = arith.cmpi eq, %jit3A_69, %eq3A_70 : i32
      %jit3A_72 = arith.constant 1 : i32
      %select_n3A_73 = arith.select %eq3A_71, %jit3A_72, %jit3A_69 : i32
      %rem3A_74 = arith.remsi %add3A_68, %select_n3A_73 : i32
      %ne3A_75 = arith.constant 0 : i32
      %ne3A_76 = arith.cmpi ne, %rem3A_74, %ne3A_75 : i32
      %lt3A_77 = arith.constant 0 : i32
      %lt3A_78 = arith.cmpi slt, %rem3A_74, %lt3A_77 : i32
      %lt3A_79 = arith.constant 0 : i32
      %lt3A_80 = arith.cmpi slt, %select_n3A_73, %lt3A_79 : i32
      %ne3A_81 = arith.xori %lt3A_78, %lt3A_80 : i1
      %and3A_82 = arith.andi %ne3A_81, %ne3A_76 : i1
      %add3A_83 = arith.addi %rem3A_74, %select_n3A_73 : i32
      %select_n3A_84 = arith.select %and3A_82, %add3A_83, %rem3A_74 : i32
      %get3A_85 = arith.index_cast %select_n3A_84 : i32 to index
      %get3A_86 = arith.constant 0 : index
      %get3A_87 = arith.constant 0 : index
      %get3A_88 = vector.load %arg5[%get3A_85, %get3A_86, %get3A_87] : memref<3x4096x288xbf16, #tpu.memory_space<vmem>>, vector<1x4096x288xbf16>
      %get3A_89 = vector.shape_cast %get3A_88 : vector<1x4096x288xbf16> to vector<4096x288xbf16>
      %get3A_90 = arith.constant 1 : index
      %get3A_91 = arith.constant 0 : index
      %get3A_92 = arith.constant 0 : index
      %get3A_93 = vector.load %arg1[%get3A_90, %get3A_91, %get3A_92] : memref<3x288x32xbf16, #tpu.memory_space<vmem>>, vector<1x288x32xbf16>
      %get3A_94 = vector.shape_cast %get3A_93 : vector<1x288x32xbf16> to vector<288x32xbf16>
      %dot_general3A_95 = arith.constant dense<0.000000e+00> : vector<4096x32xf32>
      %dot_general3A_96 = tpu.matmul %get3A_89, %get3A_94, %dot_general3A_95 {dimension_numbers = #tpu.dot_dimension_numbers<[1], [0], [0], [1], [0, 0, 1, 1], [], []>, transpose_lhs_hint = false} : vector<4096x288xbf16>, vector<288x32xbf16>, vector<4096x32xf32> -> vector<4096x32xf32>
      %add3A_97 = arith.addf %add3A_64, %dot_general3A_96 : vector<4096x32xf32>
      %sub3A_98 = arith.constant 1 : i32
      %sub3A_99 = arith.subi %sub3A_27, %sub3A_98 : i32
      %add3A_100 = arith.constant 2 : i32
      %add3A_101 = arith.addi %sub3A_99, %add3A_100 : i32
      %jit3A_102 = arith.constant 3 : i32
      %eq3A_103 = arith.constant 0 : i32
      %eq3A_104 = arith.cmpi eq, %jit3A_102, %eq3A_103 : i32
      %jit3A_105 = arith.constant 1 : i32
      %select_n3A_106 = arith.select %eq3A_104, %jit3A_105, %jit3A_102 : i32
      %rem3A_107 = arith.remsi %add3A_101, %select_n3A_106 : i32
      %ne3A_108 = arith.constant 0 : i32
      %ne3A_109 = arith.cmpi ne, %rem3A_107, %ne3A_108 : i32
      %lt3A_110 = arith.constant 0 : i32
      %lt3A_111 = arith.cmpi slt, %rem3A_107, %lt3A_110 : i32
      %lt3A_112 = arith.constant 0 : i32
      %lt3A_113 = arith.cmpi slt, %select_n3A_106, %lt3A_112 : i32
      %ne3A_114 = arith.xori %lt3A_111, %lt3A_113 : i1
      %and3A_115 = arith.andi %ne3A_114, %ne3A_109 : i1
      %add3A_116 = arith.addi %rem3A_107, %select_n3A_106 : i32
      %select_n3A_117 = arith.select %and3A_115, %add3A_116, %rem3A_107 : i32
      %get3A_118 = arith.index_cast %select_n3A_117 : i32 to index
      %get3A_119 = arith.constant 0 : index
      %get3A_120 = arith.constant 0 : index
      %get3A_121 = vector.load %arg5[%get3A_118, %get3A_119, %get3A_120] : memref<3x4096x288xbf16, #tpu.memory_space<vmem>>, vector<1x4096x288xbf16>
      %get3A_122 = vector.shape_cast %get3A_121 : vector<1x4096x288xbf16> to vector<4096x288xbf16>
      %get3A_123 = arith.constant 2 : index
      %get3A_124 = arith.constant 0 : index
      %get3A_125 = arith.constant 0 : index
      %get3A_126 = vector.load %arg1[%get3A_123, %get3A_124, %get3A_125] : memref<3x288x32xbf16, #tpu.memory_space<vmem>>, vector<1x288x32xbf16>
      %get3A_127 = vector.shape_cast %get3A_126 : vector<1x288x32xbf16> to vector<288x32xbf16>
      %dot_general3A_128 = arith.constant dense<0.000000e+00> : vector<4096x32xf32>
      %dot_general3A_129 = tpu.matmul %get3A_122, %get3A_127, %dot_general3A_128 {dimension_numbers = #tpu.dot_dimension_numbers<[1], [0], [0], [1], [0, 0, 1, 1], [], []>, transpose_lhs_hint = false} : vector<4096x288xbf16>, vector<288x32xbf16>, vector<4096x32xf32> -> vector<4096x32xf32>
      %lt3A_130 = arith.constant 63 : i32
      %lt3A_131 = arith.cmpi slt, %sub3A_27, %lt3A_130 : i32
      %jit3A_132 = arith.constant 0.000000e+00 : f32
      %broadcast_in_dim3A_133 = vector.broadcast %jit3A_132 : f32 to vector<4096x32xf32>
      %select_n3A_134 = arith.select %lt3A_131, %dot_general3A_129, %broadcast_in_dim3A_133 : vector<4096x32xf32>
      %add3A_135 = arith.addf %add3A_97, %select_n3A_134 : vector<4096x32xf32>
      %get3A_136 = arith.constant 0 : index
      %get3A_137 = arith.constant 0 : index
      %get3A_138 = vector.load %arg2[%get3A_136, %get3A_137] : memref<1x32xf32, #tpu.memory_space<vmem>>, vector<1x32xf32>
      %get3A_139 = vector.shape_cast %get3A_138 : vector<1x32xf32> to vector<32xf32>
      %broadcast_in_dim3A_140 = vector.shape_cast %get3A_139 : vector<32xf32> to vector<1x32xf32>
      %add3A_141 = vector.broadcast %broadcast_in_dim3A_140 : vector<1x32xf32> to vector<4096x32xf32>
      %add3A_142 = arith.addf %add3A_135, %add3A_141 : vector<4096x32xf32>
      %swap3A_143 = arith.constant 0 : index
      %swap3A_144 = arith.constant 0 : index
      %swap3A_145 = vector.load %arg4[%swap3A_143, %swap3A_144] : memref<4096x32xf32, #tpu.memory_space<vmem>>, vector<4096x32xf32>
      tpu.vector_store %arg4[%swap3A_143, %swap3A_144], %add3A_142 {strides = array<i32>} : memref<4096x32xf32, #tpu.memory_space<vmem>>, vector<4096x32xf32>,
    } else {
    }
    return
  }
  func.func @transform_0(%arg0: i32) -> (i32, i32, i32) {
    %c0_i32 = arith.constant 0 : i32
    %c0_i32_0 = arith.constant 0 : i32
    %c0_i32_1 = arith.constant 0 : i32
    %c0_i32_2 = arith.constant 0 : i32
    return %c0_i32, %c0_i32_0, %c0_i32_1 : i32, i32, i32
  }
  func.func @transform_1(%arg0: i32) -> (i32, i32) {
    %c0_i32 = arith.constant 0 : i32
    %c0_i32_0 = arith.constant 0 : i32
    %c0_i32_1 = arith.constant 0 : i32
    return %c0_i32, %c0_i32_0 : i32, i32
  }
  func.func @transform_2(%arg0: i32) -> (i32, i32) {
    %min3A = arith.constant 63 : i32
    %min3A_0 = arith.minsi %arg0, %min3A : i32
    %c0_i32 = arith.constant 0 : i32
    %c0_i32_1 = arith.constant 0 : i32
    return %min3A_0, %c0_i32 : i32, i32
  }
  func.func @transform_3(%arg0: i32) -> (i32, i32) {
    %sub3A = arith.constant 1 : i32
    %sub3A_0 = arith.subi %arg0, %sub3A : i32
    %max3A = arith.constant 0 : i32
    %max3A_1 = arith.maxsi %sub3A_0, %max3A : i32
    %c0_i32 = arith.constant 0 : i32
    %c0_i32_2 = arith.constant 0 : i32
    return %max3A_1, %c0_i32 : i32, i32
  }
}

</mosaic_0001>

<sc_bundles>
// kernel: kernel.5.cloned.1.call-start
scs
__scs_entry_jumppad:
0x0: {  	(pc) =	sbr.rel $0x88, $3  }
0x1: {  	(tag) =	ssettag $0x0;
	lr =	simm.s32 $0x1  }
0x2: {  	[smem:$0x3F9D] =	sst lr;
	_ =	strace $0xD0000000  }
0x3: {  	_ = 	snop  }
0x4: {  	_ = 	snop  }
0x5: {  	_ = 	snop  }
0x6: {  	_ = 	snop  }
0x7: {  	_ = 	snop  }
__scs_overlays_trampoline_lowered:
0x8: {  	[smem:$0x3FAC] =	sst s0  }
0x9: {  	[smem:$0x3FAD] =	sst s1  }
0xa: {  	[smem:$0x3FAE] =	sst s2  }
0xb: {  	[smem:$0x3FAF] =	sst s3  }
0xc: {  	[smem:$0x3FB0] =	sst s4  }
0xd: {  	[smem:$0x3FB1] =	sst s5  }
0xe: {  	[smem:$0x3FB2] =	sst s6  }
0xf: {  	[smem:$0x3FB3] =	sst s7  }
0x10: {  	[smem:$0x3FB4] =	sst s8  }
0x11: {  	[smem:$0x3FB5] =	sst s9;
	s0 =	simm.s32 @!p0 $0x0  }
0x12: {  	s1 =	sld [smem:$0x3F9B];
	s0 =	simm.s32 @p0 $0x1  }
0x13: {  	[smem:$0x3FB6] =	sst s0;
	s0 =	simm.s32 @!p1 $0x0  }
0x14: {  	s2 =	sld [smem:$0x3F9A];
	s0 =	simm.s32 @p1 $0x1  }
0x15: {  	[smem:$0x3FB7] =	sst s0;
	s0 =	simm.s32 @!p2 $0x0  }
0x16: {  	s3 =	sld [smem:$0x3FDB];
	s0 =	simm.s32 @p2 $0x1  }
0x17: {  	s4 =	simm.s32 $0x1BF5;
	[smem:$0x3FB9] =	sst s0  }
0x18: {  	s0 =	sld [smem:$0x3F9C];
	_ =	swait.ge [sflag:s4], $0x0  }
0x19: {  	s7 =	sld [smem:$0x3F9D]  }
0x1a: {  	s8 =	sadd.s32 $0xFFFFE003, lr  }
0x1b: {  	s9 =	sadd.s32 $0xFFFFFEF7, lr;
	s5 =	simm.s32 $0xFFFFFFFF;
	p2 =	slt.u32 s8, $0xFFFFF086  }
0x1c: {  	p1 =	slt.u32 s9, $0xF7A;
	s5 =	simm.s32 @!p2 $0x0  }
0x1d: {  	s5 =	simm.s32 @p1 $0x1;
	p0 =	seq.s32 s7, s2  }
0x1e: {  	s7 =	smul.u32 @!p0 $0xF7A, s2;
	p2 =	seq.s32 @!p0 s5, $0x0  }
0x1f: {  	s9 =	smul.u32 $0xF7A, s1;
	s8 =	simm.s32 @!p0 $0x1BF5;
	p2 =	por !p2, p0  }
0x20: {  	[sflag:s8] =	ssyncset.s32 @!p0 $0xFFFFF086;
	s6 =	sadd.s32 @!p0 s3, s7;
	s7 =	simm.s32 @!p0 $0x108  }
0x21: {  	s3 =	sadd.s32 s3, s9;
	s6 =	sadd.s32 @!p0 $0x88, s6;
	s7 =	simm.s32 @p2 $0x1082  }
0x22: {  	[simem:s7], [sflag:s8] =	dma.local @!p0 [hbm:s6], $0xF7A  }
0x23: {  	s9 =	sor.u32 $0xD0000000, s2;
	s6 =	simm.s32 $0x108;
	_ =	swait.ge @!p0 [sflag:s8], $0x0  }
0x24: {  	s3 =	sadd.s32 $0x88, s3;
	s6 =	simm.s32 @!p1 $0x1082;
	[sflag:s4] =	ssyncset.s32 $0xFFFFF086  }
0x25: {  	[simem:s6], [sflag:s4] =	dma.local [hbm:s3], $0xF7A  }
0x26: {  	[smem:$0x3F9D] =	sst s1;
	(tag) =	ssettag s2;
	_ =	strace s9  }
0x27: {  	s1 =	sld [smem:$0x3FAD]  }
0x28: {  	s2 =	sld [smem:$0x3FAE]  }
0x29: {  	s4 =	sld [smem:$0x3FB0]  }
0x2a: {  	p0 =	seq.s32 s5, $0x0;
	s5 =	sld [smem:$0x3FB1]  }
0x2b: {  	s6 =	sld [smem:$0x3FB2]  }
0x2c: {  	s7 =	sld [smem:$0x3FB3]  }
0x2d: {  	s3 =	simm.s32 $0x108;
	s8 =	sld [smem:$0x3FB4]  }
0x2e: {  	s3 =	simm.s32 @!p0 $0x1082;
	s9 =	sld [smem:$0x3FB5]  }
0x2f: {  	lr =	sadd.s32 s0, s3;
	s0 =	sld [smem:$0x3FAC]  }
0x30: {  	s3 =	sld [smem:$0x3FAF]  }
0x31: {  	[smem:$0x3FB8] =	sst s10  }
0x32: {  	s10 =	sld [smem:$0x3FB6];
	_ =	sdelay $0x3  }
0x33: {  	p0 =	seq.s32 s10, $0x1;
	s10 =	sld [smem:$0x3FB8];
	_ =	sdelay $0x3  }
0x34: {  	[smem:$0x3FB8] =	sst s10  }
0x35: {  	s10 =	sld [smem:$0x3FB7];
	_ =	sdelay $0x3  }
0x36: {  	p1 =	seq.s32 s10, $0x1;
	s10 =	sld [smem:$0x3FB8];
	_ =	sdelay $0x3  }
0x37: {  	[smem:$0x3FB8] =	sst s10  }
0x38: {  	s10 =	sld [smem:$0x3FB9]  }
0x39: {  	_ = 	snop;
	(pc) =	sbr.ind lr, $3  }
0x3a: {  	_ = 	snop  }
0x3b: {  	_ = 	snop  }
0x3c: {  	p2 =	seq.s32 s10, $0x1;
	s10 =	sld [smem:$0x3FB8]  }
0x3d: {  	_ =	shalt  }
0x3e: {  	_ =	shalt  }
0x3f: {  	_ =	shalt  }
0x40: {  	_ =	shalt  }
0x41: {  	_ =	shalt  }
0x42: {  	_ =	shalt  }
0x43: {  	_ =	shalt  }
0x44: {  	_ =	shalt  }
0x45: {  	_ =	shalt  }
0x46: {  	_ =	shalt  }
0x47: {  	_ =	shalt  }
0x48: {  	_ =	shalt  }
0x49: {  	_ =	shalt  }
0x4a: {  	_ =	shalt  }
0x4b: {  	_ =	shalt  }
0x4c: {  	_ =	shalt  }
0x4d: {  	_ =	shalt  }
0x4e: {  	_ =	shalt  }
0x4f: {  	_ =	shalt  }
0x50: {  	_ =	shalt  }
0x51: {  	_ =	shalt  }
0x52: {  	_ =	shalt  }
0x53: {  	_ =	shalt  }
0x54: {  	_ =	shalt  }
0x55: {  	_ =	shalt  }
0x56: {  	_ =	shalt  }
0x57: {  	_ =	shalt  }
0x58: {  	_ =	shalt  }
0x59: {  	_ =	shalt  }
0x5a: {  	_ =	shalt  }
0x5b: {  	_ =	shalt  }
0x5c: {  	_ =	shalt  }
0x5d: {  	_ =	shalt  }
0x5e: {  	_ =	shalt  }
0x5f: {  	_ =	shalt  }
0x60: {  	_ =	shalt  }
0x61: {  	_ =	shalt  }
0x62: {  	_ =	shalt  }
0x63: {  	_ =	shalt  }
0x64: {  	_ =	shalt  }
0x65: {  	_ =	shalt  }
0x66: {  	_ =	shalt  }
0x67: {  	_ =	shalt  }
0x68: {  	_ =	shalt  }
0x69: {  	_ =	shalt  }
0x6a: {  	_ =	shalt  }
0x6b: {  	_ =	shalt  }
0x6c: {  	_ =	shalt  }
0x6d: {  	_ =	shalt  }
0x6e: {  	_ =	shalt  }
0x6f: {  	_ =	shalt  }
0x70: {  	_ =	shalt  }
0x71: {  	_ =	shalt  }
0x72: {  	_ =	shalt  }
0x73: {  	_ =	shalt  }
0x74: {  	_ =	shalt  }
0x75: {  	_ =	shalt  }
0x76: {  	_ =	shalt  }
0x77: {  	_ =	shalt  }
0x78: {  	_ =	shalt  }
0x79: {  	_ =	shalt  }
0x7a: {  	_ =	shalt  }
0x7b: {  	_ =	shalt  }
0x7c: {  	_ =	shalt  }
0x7d: {  	_ =	shalt  }
0x7e: {  	_ =	shalt  }
0x7f: {  	_ =	shalt  }
0x80: {  	_ =	shalt  }
0x81: {  	_ =	shalt  }
0x82: {  	_ =	shalt  }
0x83: {  	_ =	shalt  }
0x84: {  	_ =	shalt  }
0x85: {  	_ =	shalt  }
0x86: {  	_ =	shalt  }
0x87: {  	_ =	shalt  }
.Lfunc_end0:
.L_simem_size_0:
called_computation.1_lowered:
.L_overlay_start_0:
0x88: {  	s2 =	sld [smem:$0x3FD9]  }
0x89: {  	s3 =	sld [smem:$0x3FFE];
	_ =	sdelay $0x1  }
0x8a: {  	s1 =	srdreg.scid  }
0x8b: {  	s0 =	sand.u32 $0x1, s1  }
0x8c: {  	s17 =	sshll.u32 s0, $0xA;
	s2 =	sadd.s32 s3, s2  }
0x8d: {  	s2 =	sadd.s32 s2, s17  }
0x8e: {  	[smem:$0x3FC4] =	sst s2  }
0x8f: {  	_ = 	snop  }
0x90: {  	s2 =	sld [smem:$0x3FD0];
	(tm) =	ssettm $0x1  }
0x91: {  	s18 =	sld [smem:$0x3FFB];
	_ =	sdelay $0x3  }
0x92: {  	_ =	strace s18  }
0x93: {  	s3 =	sld [smem:$0x3FFC];
	_ =	sdelay $0x3  }
0x94: {  	_ =	strace s3  }
0x95: {  	s3 =	sld [smem:$0x3FFD];
	_ =	sdelay $0x3  }
0x96: {  	_ =	strace s3  }
0x97: {  	_ =	strace $0x8FFFFFFF  }
0x98: {  	s19 =	sld [smem:$0x3FDB];
	_ =	sdelay $0x1  }
0x99: {  	s4 =	simm.s32 $_scs_section_size  }
0x9a: {  	s5 =	simm.s32 $_size__tile_overlayer_lowered;
	s6 =	simm.s32 $_tile_overlayer_lowered  }
0x9b: {  	s22 =	simm.s32 $0x1BFF;
	s21 =	sshll.u32 s6, $0x1;
	s3 =	sadd.s32 s4, s19  }
0x9c: {  	s7 =	simm.s32 $0x0;
	s20 =	sshll.u32 s5, $0x1;
	s5 =	sadd.s32 s21, s3  }
0x9d: {  	[timem:s7], [sflag:s22] =	dma.local [hbm:s5], s20  }
0x9e: {  	_ =	swait.ge [sflag:s22], s20  }
0x9f: {  	s4 =	ssub.s32 $0x0, s20;
	[sflag:s22] =	ssyncset.done $0x0  }
0xa0: {  	[sflag:s22] =	ssyncadd.s32 s4;
	_ =	sdelay $0x1  }
0xa1: {  	s23 =	simm.s32 $0x1B8B  }
0xa2: {  	_ =	swait.ge [sflag:s23], $0x1  }
0xa3: {  	[sflag:s23] =	ssyncset.done $0x0  }
0xa4: {  	s25 =	simm.s32 $0x1B8E;
	s24 =	sld [smem:$0x3FFE];
	[sflag:s23] =	ssyncadd.s32 $0xFFFFFFFF  }
0xa5: {  	s26 =	simm.s32 $execute0_lowered;
	[smem:$0x3FD2] =	sst s25  }
0xa6: {  	s5 =	sshll.u32 s26, $0x1;
	_ =	strace $0x80000049;
	[dreg:$0x1] =	wrdreg $0xFFFFFFFF  }
0xa7: {  	s28 =	simm.s32 $_size_execute0_lowered;
	s3 =	sadd.s32 s3, s5;
	[dreg:$0x0] =	wrdreg $0x0  }
0xa8: {  	s5 =	sshll.u32 s28, $0x1;
	[dreg:$0x2] =	wrdreg s3  }
0xa9: {  	[dreg:$0x3] =	wrdreg s5  }
0xaa: {  	[dreg:$0x4] =	wrdreg $0xC0  }
0xab: {  	_ =	task [dreg:s7], $0x5FFFF  }
0xac: {  	[dreg:$0x1] =	wrdreg $0xFFFFFFFF  }
0xad: {  	[dreg:$0x0] =	wrdreg $0x60  }
0xae: {  	[dreg:$0x2] =	wrdreg s24  }
0xaf: {  	[dreg:$0x3] =	wrdreg s2  }
0xb0: {  	[dreg:$0x4] =	wrdreg $0x9  }
0xb1: {  	_ =	task.clear_ibuf [dreg:s7], $0x5FFFF;
	_ =	strace $0x90000049  }
0xb2: {  	s29 =	simm.s32 $0x9;
	_ =	strace $0x8000004B  }
0xb3: {  	_ =	swait.ge [sflag:s29], $0x1  }
0xb4: {  	[sflag:s29] =	ssyncadd.s32 $0xFFFFFFFF  }
0xb5: {  	_ =	strace $0x9000004B  }
0xb6: {  	_ =	sfence  }
0xb7: {  	s30 =	sld [smem:$0x0];
	_ =	sdelay $0x2  }
0xb8: {  	s31 =	sshll.u32 s1, $0xD;
	s1 =	sshrl.u32 s1, $0x2  }
0xb9: {  	s3 =	sand.u32 $0x4000, s31;
	s1 =	sadd.s32 s1, s30  }
0xba: {  	s0 =	sor.u32 s3, s0;
	s1 =	sshll.u32 s1, $0x11  }
0xbb: {  	s0 =	sor.u32 s1, s0  }
0xbc: {  	s0 =	sadd.s32 $0x8F2B, s0  }
0xbd: {  	[sflag:s0] =	ssyncadd.remote.s32 $0x1  }
0xbe: {  	_ =	sfence.sel $0xFFFF  }
0xbf: {  	[dreg:$0x0] =	wrdreg $0xFFFFFFFF;
	(pc) =	sbr.abs _section_cstart, $3  }
0xc0: {  	[dreg:$0x1] =	wrdreg $0xFFFFFFFF  }
0xc1: {  	_ =	task.clear_ibuf [dreg:s7], $0x2FFFF;
	_ =	strace $0x9FFFFFFF  }
0xc2: {  	(tm) =	ssettm $0x7FFFFFFF  }
0xc3: {  	_ =	shalt  }
tec
execute0_lowered:
.L_overlay_start_1:
0x0: {  	(tag) =	ssettag $0x1  }
0x1: {  	s4 =	rddreg [dreg:$0x0]  }
0x2: {  	s10 =	rddreg [dreg:$0x1]  }
0x3: {  	s0 =	rddreg [dreg:$0x2];
	s2 =	simm.s32 $0x0;
	s3 =	srdreg.scid  }
0x4: {  	s1 =	stileid.u32;
	s18 =	simm.s32 $0xA20;
	s19 =	simm.s32 $0x1  }
0x5: {  	s20 =	simm.s32 $0x0;
	s8 =	sand.u32 $0x1, s3;
	s25 =	sshll.u32 s1, $0x1  }
0x6: {  	[smem:$0x7FF] =	sst s2;
	s15 =	smul.u32 $0x5100, s1;
	s5 =	sor.u32 s8, s25  }
0x7: {  	s3 =	sadd.s32 $0x3200, s4;
	s6 =	ssub.s32 $0x2, s8;
	s9 =	smul.u32 $0x2880, s5  }
0x8: {  	s12 =	sadd.s32 $0x68E00, s4;
	s26 =	sshrl.u32 s6, $0x1;
	s5 =	smul.u32 $0xA200, s5  }
0x9: {  	_ =	strace $0x8000004A;
	s17 =	smul.u32 $0x2880, s8;
	s13 =	ssub.s32 s6, s26  }
0xa: {  	s28 =	sshrl.u32 s9, $0x3;
	s7 =	sadd.s32 $0xA20, s9;
	s5 =	sadd.s32 s12, s5  }
0xb: {  	s11 =	sadd.s32 $0x1440, s9;
	s16 =	sadd.s32 $0x1E60, s9;
	s13 =	smax.u32 s13, $0x1  }
0xc: {  	s4 =	sadd.s32 s10, s28;
	s29 =	sshrl.u32 s7, $0x3;
	s7 =	sshll.u32 s7, $0x2  }
0xd: {  	s14 =	sshrl.u32 s11, $0x3;
	s11 =	sshll.u32 s11, $0x2;
	s30 =	sshrl.u32 s16, $0x3  }
0xe: {  	s31 =	sshll.u32 s16, $0x2;
	s6 =	sadd.s32 s10, s29;
	s7 =	sadd.s32 s12, s7  }
0xf: {  	s8 =	sadd.s32 s10, s14;
	s9 =	sadd.s32 s12, s11;
	s10 =	sadd.s32 s10, s30  }
0x10: {  	s11 =	sadd.s32 s17, s15;
	s12 =	sadd.s32 s12, s31;
	s17 =	simm.s32 $0x2  }
0x11: {  	v0 =	vlaneseq.u32;
	s14 =	sadd.s32 $0xA20, s11;
	s15 =	sadd.s32 $0x1440, s11;
	s16 =	sadd.s32 $0x1E60, s11  }
.LBB2_1:
0x12: {  	[tilespmem:s2], [sflag:$0x2] =	stream.linear.gather [hbm4b:s4+s2], $0xA20, $0x38;
	[tilespmem:$0x14E20] =	vst v63  }
0x13: {  	_ =	swait.ge [sflag:s17], $0xA20  }
0x14: {  	[sflag:s17] =	ssyncset.done $0x0  }
0x15: {  	s22 =	simm.s32 $0x0;
	[sflag:s17] =	ssyncadd.s32 $0xFFFFF5E0  }
0x16: {  	v1 =	vld [tilespmem:s22+$0x0];
	_ =	sdelay $0x2  }
0x17: {  	v2 =	vor.u32 s11, v0  }
0x18: {  	v2 =	vand.u32 $0xFFF, v2  }
0x19: {  	v2 =	vadd.s32 $0x186A0, v2;
	vm0 =	veq.s32 v1, $0x186A0  }
0x1a: {  	v1 =	vsel vm0, v2, v1  }
0x1b: {  	s21 =	simm.s32 $0x10;
	s23 =	simm.s32 $0x80;
	[tilespmem:s22+$0x0] =	vst v1;
	s22 =	smov.u32 s11  }
.LBB2_2:
0x1c: {  	p0 =	sne.s32 s23, $0x2840;
	v1 =	vld [tilespmem:s21+$0x0];
	_ =	sdelay $0x1  }
0x1d: {  	s22 =	sadd.s32 $0x10, s22  }
.Ltmp0:
0x1e: {  	v2 =	vor.u32 s22, v0;
	(pc) =	sbr.rel @p0 .LBB2_2-.Ltmp0, $4  }
0x1f: {  	v2 =	vand.u32 $0xFFF, v2  }
0x20: {  	v2 =	vadd.s32 $0x186A0, v2;
	vm0 =	veq.s32 v1, $0x186A0  }
0x21: {  	v1 =	vsel vm0, v2, v1  }
0x22: {  	[tilespmem:s21+$0x0] =	vst v1;
	s21 =	sshra.s32 s23, $0x2;
	s23 =	sadd.s32 $0x40, s23  }
0x23: {  	v1 =	vld [tilespmem:s21+$0x0];
	_ =	sdelay $0x1  }
0x24: {  	s22 =	sadd.s32 $0x10, s22  }
0x25: {  	v2 =	vor.u32 s22, v0  }
0x26: {  	v2 =	vand.u32 $0xFFF, v2  }
0x27: {  	v2 =	vadd.s32 $0x186A0, v2;
	vm0 =	veq.s32 v1, $0x186A0  }
0x28: {  	v1 =	vsel vm0, v2, v1  }
0x29: {  	s30 =	simm.s32 $0x0;
	[tilespmem:s21+$0x0] =	vst v1  }
0x2a: {  	[tilespmem:s18], [sflag:$0x1] =	stream.indirect.gather [hbm4b:s3+s18], $0x20, s30, s18, $0xb8;
	[tilespmem:$0x14E20] =	vst v63  }
0x2b: {  	_ =	swait.ge [sflag:s19], $0x14400  }
0x2c: {  	[sflag:s19] =	ssyncset.done $0x0  }
0x2d: {  	[sflag:s19] =	ssyncadd.s32 $0xFFFEBC00  }
0x2e: {  	[hbm4b:s5+s30] =	stream.linear.scatter [tilespmem:s18], [sflag:$0x2], $0x14400, $0x38;
	[tilespmem:$0x14E20] =	vst v63  }
0x2f: {  	_ =	swait.ge [sflag:s17], $0x14400  }
0x30: {  	[sflag:s17] =	ssyncset.done $0x0  }
0x31: {  	[sflag:s17] =	ssyncadd.s32 $0xFFFEBC00  }
0x32: {  	[tilespmem:s30], [sflag:$0x2] =	stream.linear.gather [hbm4b:s6+s30], $0xA20, $0x38;
	[tilespmem:$0x14E20] =	vst v63  }
0x33: {  	_ =	swait.ge [sflag:s17], $0xA20  }
0x34: {  	[sflag:s17] =	ssyncset.done $0x0  }
0x35: {  	s31 =	simm.s32 $0x0;
	[sflag:s17] =	ssyncadd.s32 $0xFFFFF5E0  }
0x36: {  	v1 =	vld [tilespmem:s31+$0x0];
	_ =	sdelay $0x2  }
0x37: {  	v2 =	vor.u32 s14, v0  }
0x38: {  	v2 =	vand.u32 $0xFFF, v2  }
0x39: {  	v2 =	vadd.s32 $0x186A0, v2;
	vm15 =	veq.s32 v1, $0x186A0  }
0x3a: {  	v1 =	vsel vm15, v2, v1  }
0x3b: {  	s23 =	simm.s32 $0x80;
	s22 =	smov.u32 s14;
	s21 =	simm.s32 $0x10;
	[tilespmem:s31+$0x0] =	vst v1  }
.LBB2_4:
0x3c: {  	p0 =	sne.s32 s23, $0x2840;
	v1 =	vld [tilespmem:s21+$0x0];
	_ =	sdelay $0x1  }
0x3d: {  	s22 =	sadd.s32 $0x10, s22  }
.Ltmp1:
0x3e: {  	v2 =	vor.u32 s22, v0;
	(pc) =	sbr.rel @p0 .LBB2_4-.Ltmp1, $4  }
0x3f: {  	v2 =	vand.u32 $0xFFF, v2  }
0x40: {  	v2 =	vadd.s32 $0x186A0, v2;
	vm0 =	veq.s32 v1, $0x186A0  }
0x41: {  	v1 =	vsel vm0, v2, v1  }
0x42: {  	[tilespmem:s21+$0x0] =	vst v1;
	s21 =	sshra.s32 s23, $0x2;
	s23 =	sadd.s32 $0x40, s23  }
0x43: {  	v1 =	vld [tilespmem:s21+$0x0];
	_ =	sdelay $0x1  }
0x44: {  	s22 =	sadd.s32 $0x10, s22  }
0x45: {  	v2 =	vor.u32 s22, v0  }
0x46: {  	v2 =	vand.u32 $0xFFF, v2  }
0x47: {  	v2 =	vadd.s32 $0x186A0, v2;
	vm0 =	veq.s32 v1, $0x186A0  }
0x48: {  	v1 =	vsel vm0, v2, v1  }
0x49: {  	s30 =	simm.s32 $0x0;
	[tilespmem:s21+$0x0] =	vst v1  }
0x4a: {  	[tilespmem:s18], [sflag:$0x1] =	stream.indirect.gather [hbm4b:s3+s18], $0x20, s30, s18, $0xb8;
	[tilespmem:$0x14E20] =	vst v63  }
0x4b: {  	_ =	swait.ge [sflag:s19], $0x14400  }
0x4c: {  	[sflag:s19] =	ssyncset.done $0x0  }
0x4d: {  	[sflag:s19] =	ssyncadd.s32 $0xFFFEBC00  }
0x4e: {  	[hbm4b:s7+s30] =	stream.linear.scatter [tilespmem:s18], [sflag:$0x2], $0x14400, $0x38;
	[tilespmem:$0x14E20] =	vst v63  }
0x4f: {  	_ =	swait.ge [sflag:s17], $0x14400  }
0x50: {  	[sflag:s17] =	ssyncset.done $0x0  }
0x51: {  	[sflag:s17] =	ssyncadd.s32 $0xFFFEBC00  }
0x52: {  	[tilespmem:s30], [sflag:$0x2] =	stream.linear.gather [hbm4b:s8+s30], $0xA20, $0x38;
	[tilespmem:$0x14E20] =	vst v63  }
0x53: {  	_ =	swait.ge [sflag:s17], $0xA20  }
0x54: {  	[sflag:s17] =	ssyncset.done $0x0  }
0x55: {  	s31 =	simm.s32 $0x0;
	[sflag:s17] =	ssyncadd.s32 $0xFFFFF5E0  }
0x56: {  	v1 =	vld [tilespmem:s31+$0x0];
	_ =	sdelay $0x2  }
0x57: {  	v2 =	vor.u32 s15, v0  }
0x58: {  	v2 =	vand.u32 $0xFFF, v2  }
0x59: {  	v2 =	vadd.s32 $0x186A0, v2;
	vm15 =	veq.s32 v1, $0x186A0  }
0x5a: {  	v1 =	vsel vm15, v2, v1  }
0x5b: {  	s23 =	simm.s32 $0x80;
	s22 =	smov.u32 s15;
	s21 =	simm.s32 $0x10;
	[tilespmem:s31+$0x0] =	vst v1  }
.LBB2_6:
0x5c: {  	p0 =	sne.s32 s23, $0x2840;
	v1 =	vld [tilespmem:s21+$0x0];
	_ =	sdelay $0x1  }
0x5d: {  	s22 =	sadd.s32 $0x10, s22  }
.Ltmp2:
0x5e: {  	v2 =	vor.u32 s22, v0;
	(pc) =	sbr.rel @p0 .LBB2_6-.Ltmp2, $4  }
0x5f: {  	v2 =	vand.u32 $0xFFF, v2  }
0x60: {  	v2 =	vadd.s32 $0x186A0, v2;
	vm0 =	veq.s32 v1, $0x186A0  }
0x61: {  	v1 =	vsel vm0, v2, v1  }
0x62: {  	[tilespmem:s21+$0x0] =	vst v1;
	s21 =	sshra.s32 s23, $0x2;
	s23 =	sadd.s32 $0x40, s23  }
0x63: {  	v1 =	vld [tilespmem:s21+$0x0];
	_ =	sdelay $0x1  }
0x64: {  	s22 =	sadd.s32 $0x10, s22  }
0x65: {  	v2 =	vor.u32 s22, v0  }
0x66: {  	v2 =	vand.u32 $0xFFF, v2  }
0x67: {  	v2 =	vadd.s32 $0x186A0, v2;
	vm0 =	veq.s32 v1, $0x186A0  }
0x68: {  	v1 =	vsel vm0, v2, v1  }
0x69: {  	s30 =	simm.s32 $0x0;
	[tilespmem:s21+$0x0] =	vst v1  }
0x6a: {  	[tilespmem:s18], [sflag:$0x1] =	stream.indirect.gather [hbm4b:s3+s18], $0x20, s30, s18, $0xb8;
	[tilespmem:$0x14E20] =	vst v63  }
0x6b: {  	_ =	swait.ge [sflag:s19], $0x14400  }
0x6c: {  	[sflag:s19] =	ssyncset.done $0x0  }
0x6d: {  	[sflag:s19] =	ssyncadd.s32 $0xFFFEBC00  }
0x6e: {  	[hbm4b:s9+s30] =	stream.linear.scatter [tilespmem:s18], [sflag:$0x2], $0x14400, $0x38;
	[tilespmem:$0x14E20] =	vst v63  }
0x6f: {  	_ =	swait.ge [sflag:s17], $0x14400  }
0x70: {  	[sflag:s17] =	ssyncset.done $0x0  }
0x71: {  	[sflag:s17] =	ssyncadd.s32 $0xFFFEBC00  }
0x72: {  	[tilespmem:s30], [sflag:$0x2] =	stream.linear.gather [hbm4b:s10+s30], $0xA20, $0x38;
	[tilespmem:$0x14E20] =	vst v63  }
0x73: {  	_ =	swait.ge [sflag:s17], $0xA20  }
0x74: {  	[sflag:s17] =	ssyncset.done $0x0  }
0x75: {  	s31 =	simm.s32 $0x0;
	[sflag:s17] =	ssyncadd.s32 $0xFFFFF5E0  }
0x76: {  	v1 =	vld [tilespmem:s31+$0x0];
	_ =	sdelay $0x2  }
0x77: {  	v2 =	vor.u32 s16, v0  }
0x78: {  	v2 =	vand.u32 $0xFFF, v2  }
0x79: {  	v2 =	vadd.s32 $0x186A0, v2;
	vm15 =	veq.s32 v1, $0x186A0  }
0x7a: {  	v1 =	vsel vm15, v2, v1  }
0x7b: {  	s23 =	simm.s32 $0x80;
	s22 =	smov.u32 s16;
	s21 =	simm.s32 $0x10;
	[tilespmem:s31+$0x0] =	vst v1  }
.LBB2_8:
0x7c: {  	p0 =	sne.s32 s23, $0x2840;
	v1 =	vld [tilespmem:s21+$0x0];
	_ =	sdelay $0x1  }
0x7d: {  	s22 =	sadd.s32 $0x10, s22  }
.Ltmp3:
0x7e: {  	v2 =	vor.u32 s22, v0;
	(pc) =	sbr.rel @p0 .LBB2_8-.Ltmp3, $4  }
0x7f: {  	v2 =	vand.u32 $0xFFF, v2  }
0x80: {  	v2 =	vadd.s32 $0x186A0, v2;
	vm0 =	veq.s32 v1, $0x186A0  }
0x81: {  	v1 =	vsel vm0, v2, v1  }
0x82: {  	[tilespmem:s21+$0x0] =	vst v1;
	s21 =	sshra.s32 s23, $0x2;
	s23 =	sadd.s32 $0x40, s23  }
0x83: {  	v1 =	vld [tilespmem:s21+$0x0];
	_ =	sdelay $0x1  }
0x84: {  	s22 =	sadd.s32 $0x10, s22  }
0x85: {  	v2 =	vor.u32 s22, v0  }
0x86: {  	v2 =	vand.u32 $0xFFF, v2  }
0x87: {  	v2 =	vadd.s32 $0x186A0, v2;
	vm0 =	veq.s32 v1, $0x186A0  }
0x88: {  	v1 =	vsel vm0, v2, v1  }
0x89: {  	[tilespmem:s21+$0x0] =	vst v1  }
0x8a: {  	[tilespmem:s18], [sflag:$0x1] =	stream.indirect.gather [hbm4b:s3+s18], $0x20, s2, s18, $0xb8;
	[tilespmem:$0x14E20] =	vst v63  }
0x8b: {  	s20 =	sadd.s32 $0x1, s20;
	_ =	swait.ge [sflag:s19], $0x14400  }
0x8c: {  	p0 =	sne.s32 s20, s13;
	[sflag:s19] =	ssyncset.done $0x0  }
.Ltmp4:
0x8d: {  	[sflag:s19] =	ssyncadd.s32 $0xFFFEBC00;
	(pc) =	sbr.rel @p0 .LBB2_1-.Ltmp4, $4  }
0x8e: {  	[hbm4b:s12+s2] =	stream.linear.scatter [tilespmem:s18], [sflag:$0x2], $0x14400, $0x38;
	[tilespmem:$0x14E20] =	vst v63  }
0x8f: {  	_ =	swait.ge [sflag:s17], $0x14400  }
0x90: {  	[sflag:s17] =	ssyncset.done $0x0  }
0x91: {  	[sflag:s17] =	ssyncadd.s32 $0xFFFEBC00  }
0x92: {  	_ =	sfence.sel $0x180000  }
0x93: {  	[bflag:$0x0] =	sbarrier.arrive $0xFFFF  }
0x94: {  	p0 =	sne.s32 s1, $0x0;
	_ =	strace $0x9000004A  }
0x95: {  	s0 =	sadd.s32 @!p0 $0x100000, s0;
	[bflag:$0x2] =	sbarrier.arrive $0xFFFF  }
0x96: {  	[sflag:s0] =	ssyncadd.tile.s32 @!p0 $0x1;
	_ =	shalt  }
.Lfunc_end2:
_tile_overlayer_lowered:
.L_overlay_start_2:
0x97: {  	(tag) =	ssettag $0x2  }
0x98: {  	s0 =	rddreg [dreg:$0x0];
	s2 =	stileid.u32  }
0x99: {  	s1 =	rddreg [dreg:$0x1];
	p0 =	sne.s32 s2, $0x0  }
0x9a: {  	s3 =	rddreg [dreg:$0x2];
	[bflag:$0x3] =	sbarrier.arrive $0xFFFF;
	s2 =	simm.s32 @!p0 $0x1C02  }
0x9b: {  	[timem:s3], [sflag:s2] =	dma.local @!p0 [hbm:s0], s1  }
0x9c: {  	s0 =	simm.s32 @!p0 $0x2  }
0x9d: {  	_ =	swait.ge @!p0 [sflag:s0], s1  }
0x9e: {  	s1 =	ssub.s32 @!p0 $0x0, s1;
	[sflag:s0] =	ssyncset.done @!p0 $0x0  }
0x9f: {  	[sflag:s0] =	ssyncadd.s32 @!p0 s1  }
0xa0: {  	[bflag:$0x3] =	sbarrier.arrive $0xFFFF  }
0xa1: {  	_ =	shalt  }

// kernel: kernel.8.cloned.1.call-start
scs
__scs_entry_jumppad:
0x0: {  	(pc) =	sbr.rel $0x88, $3  }
0x1: {  	(tag) =	ssettag $0x0;
	lr =	simm.s32 $0x1  }
0x2: {  	[smem:$0x3F9D] =	sst lr;
	_ =	strace $0xD0000000  }
0x3: {  	_ = 	snop  }
0x4: {  	_ = 	snop  }
0x5: {  	_ = 	snop  }
0x6: {  	_ = 	snop  }
0x7: {  	_ = 	snop  }
__scs_overlays_trampoline_lowered:
0x8: {  	[smem:$0x3FAC] =	sst s0  }
0x9: {  	[smem:$0x3FAD] =	sst s1  }
0xa: {  	[smem:$0x3FAE] =	sst s2  }
0xb: {  	[smem:$0x3FAF] =	sst s3  }
0xc: {  	[smem:$0x3FB0] =	sst s4  }
0xd: {  	[smem:$0x3FB1] =	sst s5  }
0xe: {  	[smem:$0x3FB2] =	sst s6  }
0xf: {  	[smem:$0x3FB3] =	sst s7  }
0x10: {  	[smem:$0x3FB4] =	sst s8  }
0x11: {  	[smem:$0x3FB5] =	sst s9;
	s0 =	simm.s32 @!p0 $0x0  }
0x12: {  	s1 =	sld [smem:$0x3F9B];
	s0 =	simm.s32 @p0 $0x1  }
0x13: {  	[smem:$0x3FB6] =	sst s0;
	s0 =	simm.s32 @!p1 $0x0  }
0x14: {  	s2 =	sld [smem:$0x3F9A];
	s0 =	simm.s32 @p1 $0x1  }
0x15: {  	[smem:$0x3FB7] =	sst s0;
	s0 =	simm.s32 @!p2 $0x0  }
0x16: {  	s3 =	sld [smem:$0x3FDB];
	s0 =	simm.s32 @p2 $0x1  }
0x17: {  	s4 =	simm.s32 $0x1BF5;
	[smem:$0x3FB9] =	sst s0  }
0x18: {  	s0 =	sld [smem:$0x3F9C];
	_ =	swait.ge [sflag:s4], $0x0  }
0x19: {  	s7 =	sld [smem:$0x3F9D]  }
0x1a: {  	s8 =	sadd.s32 $0xFFFFE003, lr  }
0x1b: {  	s9 =	sadd.s32 $0xFFFFFEF7, lr;
	s5 =	simm.s32 $0xFFFFFFFF;
	p2 =	slt.u32 s8, $0xFFFFF086  }
0x1c: {  	p1 =	slt.u32 s9, $0xF7A;
	s5 =	simm.s32 @!p2 $0x0  }
0x1d: {  	s5 =	simm.s32 @p1 $0x1;
	p0 =	seq.s32 s7, s2  }
0x1e: {  	s7 =	smul.u32 @!p0 $0xF7A, s2;
	p2 =	seq.s32 @!p0 s5, $0x0  }
0x1f: {  	s9 =	smul.u32 $0xF7A, s1;
	s8 =	simm.s32 @!p0 $0x1BF5;
	p2 =	por !p2, p0  }
0x20: {  	[sflag:s8] =	ssyncset.s32 @!p0 $0xFFFFF086;
	s6 =	sadd.s32 @!p0 s3, s7;
	s7 =	simm.s32 @!p0 $0x108  }
0x21: {  	s3 =	sadd.s32 s3, s9;
	s6 =	sadd.s32 @!p0 $0x88, s6;
	s7 =	simm.s32 @p2 $0x1082  }
0x22: {  	[simem:s7], [sflag:s8] =	dma.local @!p0 [hbm:s6], $0xF7A  }
0x23: {  	s9 =	sor.u32 $0xD0000000, s2;
	s6 =	simm.s32 $0x108;
	_ =	swait.ge @!p0 [sflag:s8], $0x0  }
0x24: {  	s3 =	sadd.s32 $0x88, s3;
	s6 =	simm.s32 @!p1 $0x1082;
	[sflag:s4] =	ssyncset.s32 $0xFFFFF086  }
0x25: {  	[simem:s6], [sflag:s4] =	dma.local [hbm:s3], $0xF7A  }
0x26: {  	[smem:$0x3F9D] =	sst s1;
	(tag) =	ssettag s2;
	_ =	strace s9  }
0x27: {  	s1 =	sld [smem:$0x3FAD]  }
0x28: {  	s2 =	sld [smem:$0x3FAE]  }
0x29: {  	s4 =	sld [smem:$0x3FB0]  }
0x2a: {  	p0 =	seq.s32 s5, $0x0;
	s5 =	sld [smem:$0x3FB1]  }
0x2b: {  	s6 =	sld [smem:$0x3FB2]  }
0x2c: {  	s7 =	sld [smem:$0x3FB3]  }
0x2d: {  	s3 =	simm.s32 $0x108;
	s8 =	sld [smem:$0x3FB4]  }
0x2e: {  	s3 =	simm.s32 @!p0 $0x1082;
	s9 =	sld [smem:$0x3FB5]  }
0x2f: {  	lr =	sadd.s32 s0, s3;
	s0 =	sld [smem:$0x3FAC]  }
0x30: {  	s3 =	sld [smem:$0x3FAF]  }
0x31: {  	[smem:$0x3FB8] =	sst s10  }
0x32: {  	s10 =	sld [smem:$0x3FB6];
	_ =	sdelay $0x3  }
0x33: {  	p0 =	seq.s32 s10, $0x1;
	s10 =	sld [smem:$0x3FB8];
	_ =	sdelay $0x3  }
0x34: {  	[smem:$0x3FB8] =	sst s10  }
0x35: {  	s10 =	sld [smem:$0x3FB7];
	_ =	sdelay $0x3  }
0x36: {  	p1 =	seq.s32 s10, $0x1;
	s10 =	sld [smem:$0x3FB8];
	_ =	sdelay $0x3  }
0x37: {  	[smem:$0x3FB8] =	sst s10  }
0x38: {  	s10 =	sld [smem:$0x3FB9]  }
0x39: {  	_ = 	snop;
	(pc) =	sbr.ind lr, $3  }
0x3a: {  	_ = 	snop  }
0x3b: {  	_ = 	snop  }
0x3c: {  	p2 =	seq.s32 s10, $0x1;
	s10 =	sld [smem:$0x3FB8]  }
0x3d: {  	_ =	shalt  }
0x3e: {  	_ =	shalt  }
0x3f: {  	_ =	shalt  }
0x40: {  	_ =	shalt  }
0x41: {  	_ =	shalt  }
0x42: {  	_ =	shalt  }
0x43: {  	_ =	shalt  }
0x44: {  	_ =	shalt  }
0x45: {  	_ =	shalt  }
0x46: {  	_ =	shalt  }
0x47: {  	_ =	shalt  }
0x48: {  	_ =	shalt  }
0x49: {  	_ =	shalt  }
0x4a: {  	_ =	shalt  }
0x4b: {  	_ =	shalt  }
0x4c: {  	_ =	shalt  }
0x4d: {  	_ =	shalt  }
0x4e: {  	_ =	shalt  }
0x4f: {  	_ =	shalt  }
0x50: {  	_ =	shalt  }
0x51: {  	_ =	shalt  }
0x52: {  	_ =	shalt  }
0x53: {  	_ =	shalt  }
0x54: {  	_ =	shalt  }
0x55: {  	_ =	shalt  }
0x56: {  	_ =	shalt  }
0x57: {  	_ =	shalt  }
0x58: {  	_ =	shalt  }
0x59: {  	_ =	shalt  }
0x5a: {  	_ =	shalt  }
0x5b: {  	_ =	shalt  }
0x5c: {  	_ =	shalt  }
0x5d: {  	_ =	shalt  }
0x5e: {  	_ =	shalt  }
0x5f: {  	_ =	shalt  }
0x60: {  	_ =	shalt  }
0x61: {  	_ =	shalt  }
0x62: {  	_ =	shalt  }
0x63: {  	_ =	shalt  }
0x64: {  	_ =	shalt  }
0x65: {  	_ =	shalt  }
0x66: {  	_ =	shalt  }
0x67: {  	_ =	shalt  }
0x68: {  	_ =	shalt  }
0x69: {  	_ =	shalt  }
0x6a: {  	_ =	shalt  }
0x6b: {  	_ =	shalt  }
0x6c: {  	_ =	shalt  }
0x6d: {  	_ =	shalt  }
0x6e: {  	_ =	shalt  }
0x6f: {  	_ =	shalt  }
0x70: {  	_ =	shalt  }
0x71: {  	_ =	shalt  }
0x72: {  	_ =	shalt  }
0x73: {  	_ =	shalt  }
0x74: {  	_ =	shalt  }
0x75: {  	_ =	shalt  }
0x76: {  	_ =	shalt  }
0x77: {  	_ =	shalt  }
0x78: {  	_ =	shalt  }
0x79: {  	_ =	shalt  }
0x7a: {  	_ =	shalt  }
0x7b: {  	_ =	shalt  }
0x7c: {  	_ =	shalt  }
0x7d: {  	_ =	shalt  }
0x7e: {  	_ =	shalt  }
0x7f: {  	_ =	shalt  }
0x80: {  	_ =	shalt  }
0x81: {  	_ =	shalt  }
0x82: {  	_ =	shalt  }
0x83: {  	_ =	shalt  }
0x84: {  	_ =	shalt  }
0x85: {  	_ =	shalt  }
0x86: {  	_ =	shalt  }
0x87: {  	_ =	shalt  }
.Lfunc_end0:
.L_simem_size_0:
called_computation.2_lowered:
.L_overlay_start_0:
0x88: {  	s2 =	sld [smem:$0x3FD9]  }
0x89: {  	s3 =	sld [smem:$0x3FFE];
	_ =	sdelay $0x1  }
0x8a: {  	s1 =	srdreg.scid  }
0x8b: {  	s0 =	sand.u32 $0x1, s1  }
0x8c: {  	s17 =	sshll.u32 s0, $0xA;
	s2 =	sadd.s32 s3, s2  }
0x8d: {  	s2 =	sadd.s32 s2, s17  }
0x8e: {  	[smem:$0x3FC4] =	sst s2  }
0x8f: {  	_ = 	snop  }
0x90: {  	s2 =	sld [smem:$0x3FD0];
	(tm) =	ssettm $0x1  }
0x91: {  	s18 =	sld [smem:$0x3FFB];
	_ =	sdelay $0x3  }
0x92: {  	_ =	strace s18  }
0x93: {  	s3 =	sld [smem:$0x3FFC];
	_ =	sdelay $0x3  }
0x94: {  	_ =	strace s3  }
0x95: {  	s3 =	sld [smem:$0x3FFD];
	_ =	sdelay $0x3  }
0x96: {  	_ =	strace s3  }
0x97: {  	_ =	strace $0x8FFFFFFF  }
0x98: {  	s19 =	sld [smem:$0x3FDB];
	_ =	sdelay $0x1  }
0x99: {  	s4 =	simm.s32 $_scs_section_size  }
0x9a: {  	s5 =	simm.s32 $_size__tile_overlayer_lowered;
	s6 =	simm.s32 $_tile_overlayer_lowered  }
0x9b: {  	s22 =	simm.s32 $0x1BFF;
	s21 =	sshll.u32 s6, $0x1;
	s3 =	sadd.s32 s4, s19  }
0x9c: {  	s7 =	simm.s32 $0x0;
	s20 =	sshll.u32 s5, $0x1;
	s5 =	sadd.s32 s21, s3  }
0x9d: {  	[timem:s7], [sflag:s22] =	dma.local [hbm:s5], s20  }
0x9e: {  	_ =	swait.ge [sflag:s22], s20  }
0x9f: {  	s4 =	ssub.s32 $0x0, s20;
	[sflag:s22] =	ssyncset.done $0x0  }
0xa0: {  	[sflag:s22] =	ssyncadd.s32 s4;
	_ =	sdelay $0x1  }
0xa1: {  	s23 =	simm.s32 $0x1B8B  }
0xa2: {  	_ =	swait.ge [sflag:s23], $0x1  }
0xa3: {  	[sflag:s23] =	ssyncset.done $0x0  }
0xa4: {  	s25 =	simm.s32 $0x1B8E;
	s24 =	sld [smem:$0x3FFE];
	[sflag:s23] =	ssyncadd.s32 $0xFFFFFFFF  }
0xa5: {  	s26 =	simm.s32 $execute0_lowered;
	[smem:$0x3FD2] =	sst s25  }
0xa6: {  	s5 =	sshll.u32 s26, $0x1;
	_ =	strace $0x8000004C;
	[dreg:$0x1] =	wrdreg $0xFFFFFFFF  }
0xa7: {  	s28 =	simm.s32 $_size_execute0_lowered;
	s3 =	sadd.s32 s3, s5;
	[dreg:$0x0] =	wrdreg $0x0  }
0xa8: {  	s5 =	sshll.u32 s28, $0x1;
	[dreg:$0x2] =	wrdreg s3  }
0xa9: {  	[dreg:$0x3] =	wrdreg s5  }
0xaa: {  	[dreg:$0x4] =	wrdreg $0xC0  }
0xab: {  	_ =	task [dreg:s7], $0x5FFFF  }
0xac: {  	[dreg:$0x1] =	wrdreg $0xFFFFFFFF  }
0xad: {  	[dreg:$0x0] =	wrdreg $0x60  }
0xae: {  	[dreg:$0x2] =	wrdreg s24  }
0xaf: {  	[dreg:$0x3] =	wrdreg s2  }
0xb0: {  	[dreg:$0x4] =	wrdreg $0x9  }
0xb1: {  	_ =	task.clear_ibuf [dreg:s7], $0x5FFFF;
	_ =	strace $0x9000004C  }
0xb2: {  	s29 =	simm.s32 $0x9;
	_ =	strace $0x8000004E  }
0xb3: {  	_ =	swait.ge [sflag:s29], $0x1  }
0xb4: {  	[sflag:s29] =	ssyncadd.s32 $0xFFFFFFFF  }
0xb5: {  	_ =	strace $0x9000004E  }
0xb6: {  	_ =	sfence  }
0xb7: {  	s30 =	sld [smem:$0x0];
	_ =	sdelay $0x2  }
0xb8: {  	s31 =	sshll.u32 s1, $0xD;
	s1 =	sshrl.u32 s1, $0x2  }
0xb9: {  	s3 =	sand.u32 $0x4000, s31;
	s1 =	sadd.s32 s1, s30  }
0xba: {  	s0 =	sor.u32 s3, s0;
	s1 =	sshll.u32 s1, $0x11  }
0xbb: {  	s0 =	sor.u32 s1, s0  }
0xbc: {  	s0 =	sadd.s32 $0x8F2B, s0  }
0xbd: {  	[sflag:s0] =	ssyncadd.remote.s32 $0x1  }
0xbe: {  	_ =	sfence.sel $0xFFFF  }
0xbf: {  	[dreg:$0x0] =	wrdreg $0xFFFFFFFF;
	(pc) =	sbr.abs _section_cstart, $3  }
0xc0: {  	[dreg:$0x1] =	wrdreg $0xFFFFFFFF  }
0xc1: {  	_ =	task.clear_ibuf [dreg:s7], $0x2FFFF;
	_ =	strace $0x9FFFFFFF  }
0xc2: {  	(tm) =	ssettm $0x7FFFFFFF  }
0xc3: {  	_ =	shalt  }
tec
execute0_lowered:
.L_overlay_start_1:
0x0: {  	(tag) =	ssettag $0x1  }
0x1: {  	s0 =	srdreg.scid  }
0x2: {  	s2 =	sand.u32 $0x1, s0  }
0x3: {  	s3 =	ssub.s32 $0x2, s2  }
0x4: {  	s1 =	stileid.u32;
	s8 =	sshrl.u32 s3, $0x1  }
0x5: {  	s4 =	sshll.u32 s1, $0x1;
	s30 =	ssub.s32 s3, s8  }
0x6: {  	s9 =	sor.u32 s2, s4;
	s2 =	smax.u32 s30, $0x1  }
0x7: {  	s16 =	sadd.s32 $0xFFFFFFFF, s2  }
0x8: {  	s5 =	rddreg [dreg:$0x0];
	p2 =	sne.s32 s16, $0x0  }
.Ltmp0:
0x9: {  	s7 =	rddreg [dreg:$0x1];
	s6 =	simm.s32 $0x0;
	(pc) =	sbr.rel @!p2 .LBB2_3-.Ltmp0, $4  }
0xa: {  	p1 =	por $0x0, $0x0;
	s0 =	rddreg [dreg:$0x2];
	s4 =	smul.u32 $0x187, s9  }
0xb: {  	[smem:$0x7FF] =	sst s6;
	s6 =	sadd.s32 $0x2F59, s5;
	s31 =	smul.u32 $0x30E0, s9  }
0xc: {  	_ =	strace $0x8000004D;
	p0 =	seq.s32 s9, $0x1F;
	s3 =	sadd.s32 $0x3200, s5  }
0xd: {  	s4 =	sadd.s32 s5, s4;
	s5 =	sadd.s32 $0x5EB20, s7;
	s2 =	sadd.s32 s7, s31  }
0xe: {  	s7 =	simm.s32 @p0 $0x0;
	s8 =	simm.s32 @p0 $0x2  }
0xf: {  	[tilespmem:s7], [sflag:$0x2] =	stream.linear.gather @p0 [hbm4b:s6+s7], $0xBD8, $0x38;
	[tilespmem:$0x19338] =	vst v63  }
0x10: {  	_ =	swait.ge @p0 [sflag:s8], $0xBD8  }
0x11: {  	s9 =	simm.s32 @p0 $0x1;
	[sflag:s8] =	ssyncset.done @p0 $0x0  }
0x12: {  	s10 =	simm.s32 @p0 $0xBD8;
	s11 =	simm.s32 @p0 $0xC38;
	[sflag:s8] =	ssyncadd.s32 @p0 $0xFFFFF428  }
0x13: {  	[tilespmem:s11], [sflag:$0x1] =	stream.indirect.gather @p0 [hbm4b:s3+s10], $0x20, s7, s10, $0xb8;
	[tilespmem:$0x19338] =	vst v63  }
0x14: {  	_ =	swait.ge @p0 [sflag:s9], $0x17B00  }
0x15: {  	[sflag:s9] =	ssyncset.done @p0 $0x0  }
0x16: {  	[sflag:s9] =	ssyncadd.s32 @p0 $0xFFFE8500  }
0x17: {  	[hbm4b:s5+s7] =	stream.linear.scatter @p0 [tilespmem:s11], [sflag:$0x2], $0x17B00, $0x38;
	[tilespmem:$0x19338] =	vst v63  }
0x18: {  	_ =	swait.ge @p0 [sflag:s8], $0x17B00  }
0x19: {  	[sflag:s8] =	ssyncset.done @p0 $0x0  }
0x1a: {  	s13 =	simm.s32 @!p0 $0x0;
	s12 =	simm.s32 @!p0 $0x2;
	[sflag:s8] =	ssyncadd.s32 @p0 $0xFFFE8500  }
0x1b: {  	[tilespmem:s13], [sflag:$0x2] =	stream.linear.gather @!p0 [hbm4b:s4+s13], $0xC38, $0x38;
	[tilespmem:$0x19338] =	vst v63  }
0x1c: {  	_ =	swait.ge @!p0 [sflag:s12], $0xC38  }
0x1d: {  	s14 =	simm.s32 @!p0 $0xC38;
	[sflag:s12] =	ssyncset.done @!p0 $0x0  }
0x1e: {  	s15 =	simm.s32 @!p0 $0x1;
	s16 =	sadd.s32 $0xFFFFFFFF, s16;
	[sflag:s12] =	ssyncadd.s32 @!p0 $0xFFFFF3C8  }
0x1f: {  	[tilespmem:s14], [sflag:$0x1] =	stream.indirect.gather @!p0 [hbm4b:s3+s14], $0x20, s13, s14, $0xb8;
	[tilespmem:$0x19338] =	vst v63  }
0x20: {  	p2 =	sne.s32 s16, $0x0;
	_ =	swait.ge @!p0 [sflag:s15], $0x18700  }
.Ltmp1:
0x21: {  	[sflag:s15] =	ssyncset.done @!p0 $0x0;
	(pc) =	sbr.rel @!p2 .LBB2_3-.Ltmp1, $4  }
0x22: {  	[sflag:s15] =	ssyncadd.s32 @!p0 $0xFFFE7900  }
0x23: {  	[hbm4b:s2+s13] =	stream.linear.scatter @!p0 [tilespmem:s14], [sflag:$0x2], $0x18700, $0x38;
	[tilespmem:$0x19338] =	vst v63  }
0x24: {  	_ =	swait.ge @!p0 [sflag:s12], $0x18700  }
0x25: {  	p1 =	por $0x1, $0x1;
	[sflag:s12] =	ssyncset.done @!p0 $0x0  }
.LBB2_2:
0x26: {  	[sflag:s12] =	ssyncadd.s32 @!p0 $0xFFFE7900  }
0x27: {  	[tilespmem:s7], [sflag:$0x2] =	stream.linear.gather @p0 [hbm4b:s6+s7], $0xBD8, $0x38;
	[tilespmem:$0x19338] =	vst v63  }
0x28: {  	s16 =	sadd.s32 $0xFFFFFFFF, s16;
	_ =	swait.ge @p0 [sflag:s8], $0xBD8  }
0x29: {  	p2 =	sne.s32 s16, $0x0;
	[sflag:s8] =	ssyncset.done @p0 $0x0  }
0x2a: {  	[sflag:s8] =	ssyncadd.s32 @p0 $0xFFFFF428  }
0x2b: {  	[tilespmem:s11], [sflag:$0x1] =	stream.indirect.gather @p0 [hbm4b:s3+s10], $0x20, s7, s10, $0xb8;
	[tilespmem:$0x19338] =	vst v63  }
0x2c: {  	_ =	swait.ge @p0 [sflag:s9], $0x17B00  }
0x2d: {  	[sflag:s9] =	ssyncset.done @p0 $0x0  }
0x2e: {  	[sflag:s9] =	ssyncadd.s32 @p0 $0xFFFE8500  }
0x2f: {  	[hbm4b:s5+s7] =	stream.linear.scatter @p0 [tilespmem:s11], [sflag:$0x2], $0x17B00, $0x38;
	[tilespmem:$0x19338] =	vst v63  }
0x30: {  	_ =	swait.ge @p0 [sflag:s8], $0x17B00  }
0x31: {  	[sflag:s8] =	ssyncset.done @p0 $0x0  }
0x32: {  	[sflag:s8] =	ssyncadd.s32 @p0 $0xFFFE8500  }
0x33: {  	[tilespmem:s13], [sflag:$0x2] =	stream.linear.gather @!p0 [hbm4b:s4+s13], $0xC38, $0x38;
	[tilespmem:$0x19338] =	vst v63  }
0x34: {  	_ =	swait.ge @!p0 [sflag:s12], $0xC38  }
0x35: {  	[sflag:s12] =	ssyncset.done @!p0 $0x0  }
0x36: {  	[sflag:s12] =	ssyncadd.s32 @!p0 $0xFFFFF3C8  }
0x37: {  	[tilespmem:s14], [sflag:$0x1] =	stream.indirect.gather @!p0 [hbm4b:s3+s14], $0x20, s13, s14, $0xb8;
	[tilespmem:$0x19338] =	vst v63  }
0x38: {  	_ =	swait.ge @!p0 [sflag:s15], $0x18700  }
.Ltmp2:
0x39: {  	[sflag:s15] =	ssyncset.done @!p0 $0x0;
	(pc) =	sbr.rel @p2 .LBB2_2-.Ltmp2, $4  }
0x3a: {  	[sflag:s15] =	ssyncadd.s32 @!p0 $0xFFFE7900  }
0x3b: {  	[hbm4b:s2+s13] =	stream.linear.scatter @!p0 [tilespmem:s14], [sflag:$0x2], $0x18700, $0x38;
	[tilespmem:$0x19338] =	vst v63  }
0x3c: {  	_ =	swait.ge @!p0 [sflag:s12], $0x18700  }
0x3d: {  	[sflag:s12] =	ssyncset.done @!p0 $0x0  }
.LBB2_3:
0x3e: {  	p1 =	por p0, !p1  }
0x3f: {  	s7 =	simm.s32 @p0 $0x0;
	s8 =	simm.s32 @p0 $0x2;
	[sflag:s12] =	ssyncadd.s32 @!p1 $0xFFFE7900  }
0x40: {  	[tilespmem:s7], [sflag:$0x2] =	stream.linear.gather @p0 [hbm4b:s6+s7], $0xBD8, $0x38;
	[tilespmem:$0x19338] =	vst v63  }
0x41: {  	_ =	swait.ge @p0 [sflag:s8], $0xBD8  }
0x42: {  	s9 =	simm.s32 @p0 $0xBD8;
	[sflag:s8] =	ssyncset.done @p0 $0x0  }
0x43: {  	s10 =	simm.s32 @p0 $0xC38;
	s6 =	simm.s32 @p0 $0x1;
	[sflag:s8] =	ssyncadd.s32 @p0 $0xFFFFF428  }
0x44: {  	[tilespmem:s10], [sflag:$0x1] =	stream.indirect.gather @p0 [hbm4b:s3+s9], $0x20, s7, s9, $0xb8;
	[tilespmem:$0x19338] =	vst v63  }
0x45: {  	_ =	swait.ge @p0 [sflag:s6], $0x17B00  }
0x46: {  	[sflag:s6] =	ssyncset.done @p0 $0x0  }
0x47: {  	[sflag:s6] =	ssyncadd.s32 @p0 $0xFFFE8500  }
0x48: {  	[hbm4b:s5+s7] =	stream.linear.scatter @p0 [tilespmem:s10], [sflag:$0x2], $0x17B00, $0x38;
	[tilespmem:$0x19338] =	vst v63  }
0x49: {  	_ =	swait.ge @p0 [sflag:s8], $0x17B00  }
0x4a: {  	[sflag:s8] =	ssyncset.done @p0 $0x0  }
0x4b: {  	s6 =	simm.s32 @!p0 $0x2;
	s5 =	simm.s32 @!p0 $0x0;
	[sflag:s8] =	ssyncadd.s32 @p0 $0xFFFE8500  }
0x4c: {  	[tilespmem:s5], [sflag:$0x2] =	stream.linear.gather @!p0 [hbm4b:s4+s5], $0xC38, $0x38;
	[tilespmem:$0x19338] =	vst v63  }
0x4d: {  	_ =	swait.ge @!p0 [sflag:s6], $0xC38  }
0x4e: {  	[sflag:s6] =	ssyncset.done @!p0 $0x0  }
0x4f: {  	s7 =	simm.s32 @!p0 $0x1;
	s4 =	simm.s32 @!p0 $0xC38;
	[sflag:s6] =	ssyncadd.s32 @!p0 $0xFFFFF3C8  }
0x50: {  	[tilespmem:s4], [sflag:$0x1] =	stream.indirect.gather @!p0 [hbm4b:s3+s4], $0x20, s5, s4, $0xb8;
	[tilespmem:$0x19338] =	vst v63  }
0x51: {  	_ =	swait.ge @!p0 [sflag:s7], $0x18700  }
0x52: {  	[sflag:s7] =	ssyncset.done @!p0 $0x0  }
0x53: {  	[sflag:s7] =	ssyncadd.s32 @!p0 $0xFFFE7900  }
0x54: {  	[hbm4b:s2+s5] =	stream.linear.scatter @!p0 [tilespmem:s4], [sflag:$0x2], $0x18700, $0x38;
	[tilespmem:$0x19338] =	vst v63  }
0x55: {  	_ =	swait.ge @!p0 [sflag:s6], $0x18700  }
0x56: {  	[sflag:s6] =	ssyncset.done @!p0 $0x0  }
0x57: {  	[sflag:s6] =	ssyncadd.s32 @!p0 $0xFFFE7900  }
0x58: {  	_ =	sfence.sel $0x180000  }
0x59: {  	[bflag:$0x0] =	sbarrier.arrive $0xFFFF  }
0x5a: {  	p0 =	sne.s32 s1, $0x0;
	_ =	strace $0x9000004D  }
0x5b: {  	s0 =	sadd.s32 @!p0 $0x100000, s0;
	[bflag:$0x2] =	sbarrier.arrive $0xFFFF  }
0x5c: {  	[sflag:s0] =	ssyncadd.tile.s32 @!p0 $0x1;
	_ =	shalt  }
.Lfunc_end2:
_tile_overlayer_lowered:
.L_overlay_start_2:
0x5d: {  	(tag) =	ssettag $0x2  }
0x5e: {  	s0 =	rddreg [dreg:$0x0];
	s2 =	stileid.u32  }
0x5f: {  	s1 =	rddreg [dreg:$0x1];
	p0 =	sne.s32 s2, $0x0  }
0x60: {  	s3 =	rddreg [dreg:$0x2];
	[bflag:$0x3] =	sbarrier.arrive $0xFFFF;
	s2 =	simm.s32 @!p0 $0x1C02  }
0x61: {  	[timem:s3], [sflag:s2] =	dma.local @!p0 [hbm:s0], s1  }
0x62: {  	s0 =	simm.s32 @!p0 $0x2  }
0x63: {  	_ =	swait.ge @!p0 [sflag:s0], s1  }
0x64: {  	s1 =	ssub.s32 @!p0 $0x0, s1;
	[sflag:s0] =	ssyncset.done @!p0 $0x0  }
0x65: {  	[sflag:s0] =	ssyncadd.s32 @!p0 s1  }
0x66: {  	[bflag:$0x3] =	sbarrier.arrive $0xFFFF  }
0x67: {  	_ =	shalt  }

// kernel: scatter_offload_async_start
scs
__scs_entry_jumppad:
0x0: {  	(pc) =	sbr.rel $0x88, $3  }
0x1: {  	(tag) =	ssettag $0x0;
	lr =	simm.s32 $0x1  }
0x2: {  	[smem:$0x3F9D] =	sst lr;
	_ =	strace $0xD0000000  }
0x3: {  	_ = 	snop  }
0x4: {  	_ = 	snop  }
0x5: {  	_ = 	snop  }
0x6: {  	_ = 	snop  }
0x7: {  	_ = 	snop  }
__scs_overlays_trampoline_lowered:
0x8: {  	[smem:$0x3FAC] =	sst s0  }
0x9: {  	[smem:$0x3FAD] =	sst s1  }
0xa: {  	[smem:$0x3FAE] =	sst s2  }
0xb: {  	[smem:$0x3FAF] =	sst s3  }
0xc: {  	[smem:$0x3FB0] =	sst s4  }
0xd: {  	[smem:$0x3FB1] =	sst s5  }
0xe: {  	[smem:$0x3FB2] =	sst s6  }
0xf: {  	[smem:$0x3FB3] =	sst s7  }
0x10: {  	[smem:$0x3FB4] =	sst s8  }
0x11: {  	[smem:$0x3FB5] =	sst s9;
	s0 =	simm.s32 @!p0 $0x0  }
0x12: {  	s1 =	sld [smem:$0x3F9B];
	s0 =	simm.s32 @p0 $0x1  }
0x13: {  	[smem:$0x3FB6] =	sst s0;
	s0 =	simm.s32 @!p1 $0x0  }
0x14: {  	s2 =	sld [smem:$0x3F9A];
	s0 =	simm.s32 @p1 $0x1  }
0x15: {  	[smem:$0x3FB7] =	sst s0;
	s0 =	simm.s32 @!p2 $0x0  }
0x16: {  	s3 =	sld [smem:$0x3FDB];
	s0 =	simm.s32 @p2 $0x1  }
0x17: {  	s4 =	simm.s32 $0x1BF5;
	[smem:$0x3FB9] =	sst s0  }
0x18: {  	s0 =	sld [smem:$0x3F9C];
	_ =	swait.ge [sflag:s4], $0x0  }
0x19: {  	s7 =	sld [smem:$0x3F9D]  }
0x1a: {  	s8 =	sadd.s32 $0xFFFFE003, lr  }
0x1b: {  	s9 =	sadd.s32 $0xFFFFFEF7, lr;
	s5 =	simm.s32 $0xFFFFFFFF;
	p2 =	slt.u32 s8, $0xFFFFF086  }
0x1c: {  	p1 =	slt.u32 s9, $0xF7A;
	s5 =	simm.s32 @!p2 $0x0  }
0x1d: {  	s5 =	simm.s32 @p1 $0x1;
	p0 =	seq.s32 s7, s2  }
0x1e: {  	s7 =	smul.u32 @!p0 $0xF7A, s2;
	p2 =	seq.s32 @!p0 s5, $0x0  }
0x1f: {  	s9 =	smul.u32 $0xF7A, s1;
	s8 =	simm.s32 @!p0 $0x1BF5;
	p2 =	por !p2, p0  }
0x20: {  	[sflag:s8] =	ssyncset.s32 @!p0 $0xFFFFF086;
	s6 =	sadd.s32 @!p0 s3, s7;
	s7 =	simm.s32 @!p0 $0x108  }
0x21: {  	s3 =	sadd.s32 s3, s9;
	s6 =	sadd.s32 @!p0 $0x88, s6;
	s7 =	simm.s32 @p2 $0x1082  }
0x22: {  	[simem:s7], [sflag:s8] =	dma.local @!p0 [hbm:s6], $0xF7A  }
0x23: {  	s9 =	sor.u32 $0xD0000000, s2;
	s6 =	simm.s32 $0x108;
	_ =	swait.ge @!p0 [sflag:s8], $0x0  }
0x24: {  	s3 =	sadd.s32 $0x88, s3;
	s6 =	simm.s32 @!p1 $0x1082;
	[sflag:s4] =	ssyncset.s32 $0xFFFFF086  }
0x25: {  	[simem:s6], [sflag:s4] =	dma.local [hbm:s3], $0xF7A  }
0x26: {  	[smem:$0x3F9D] =	sst s1;
	(tag) =	ssettag s2;
	_ =	strace s9  }
0x27: {  	s1 =	sld [smem:$0x3FAD]  }
0x28: {  	s2 =	sld [smem:$0x3FAE]  }
0x29: {  	s4 =	sld [smem:$0x3FB0]  }
0x2a: {  	p0 =	seq.s32 s5, $0x0;
	s5 =	sld [smem:$0x3FB1]  }
0x2b: {  	s6 =	sld [smem:$0x3FB2]  }
0x2c: {  	s7 =	sld [smem:$0x3FB3]  }
0x2d: {  	s3 =	simm.s32 $0x108;
	s8 =	sld [smem:$0x3FB4]  }
0x2e: {  	s3 =	simm.s32 @!p0 $0x1082;
	s9 =	sld [smem:$0x3FB5]  }
0x2f: {  	lr =	sadd.s32 s0, s3;
	s0 =	sld [smem:$0x3FAC]  }
0x30: {  	s3 =	sld [smem:$0x3FAF]  }
0x31: {  	[smem:$0x3FB8] =	sst s10  }
0x32: {  	s10 =	sld [smem:$0x3FB6];
	_ =	sdelay $0x3  }
0x33: {  	p0 =	seq.s32 s10, $0x1;
	s10 =	sld [smem:$0x3FB8];
	_ =	sdelay $0x3  }
0x34: {  	[smem:$0x3FB8] =	sst s10  }
0x35: {  	s10 =	sld [smem:$0x3FB7];
	_ =	sdelay $0x3  }
0x36: {  	p1 =	seq.s32 s10, $0x1;
	s10 =	sld [smem:$0x3FB8];
	_ =	sdelay $0x3  }
0x37: {  	[smem:$0x3FB8] =	sst s10  }
0x38: {  	s10 =	sld [smem:$0x3FB9]  }
0x39: {  	_ = 	snop;
	(pc) =	sbr.ind lr, $3  }
0x3a: {  	_ = 	snop  }
0x3b: {  	_ = 	snop  }
0x3c: {  	p2 =	seq.s32 s10, $0x1;
	s10 =	sld [smem:$0x3FB8]  }
0x3d: {  	_ =	shalt  }
0x3e: {  	_ =	shalt  }
0x3f: {  	_ =	shalt  }
0x40: {  	_ =	shalt  }
0x41: {  	_ =	shalt  }
0x42: {  	_ =	shalt  }
0x43: {  	_ =	shalt  }
0x44: {  	_ =	shalt  }
0x45: {  	_ =	shalt  }
0x46: {  	_ =	shalt  }
0x47: {  	_ =	shalt  }
0x48: {  	_ =	shalt  }
0x49: {  	_ =	shalt  }
0x4a: {  	_ =	shalt  }
0x4b: {  	_ =	shalt  }
0x4c: {  	_ =	shalt  }
0x4d: {  	_ =	shalt  }
0x4e: {  	_ =	shalt  }
0x4f: {  	_ =	shalt  }
0x50: {  	_ =	shalt  }
0x51: {  	_ =	shalt  }
0x52: {  	_ =	shalt  }
0x53: {  	_ =	shalt  }
0x54: {  	_ =	shalt  }
0x55: {  	_ =	shalt  }
0x56: {  	_ =	shalt  }
0x57: {  	_ =	shalt  }
0x58: {  	_ =	shalt  }
0x59: {  	_ =	shalt  }
0x5a: {  	_ =	shalt  }
0x5b: {  	_ =	shalt  }
0x5c: {  	_ =	shalt  }
0x5d: {  	_ =	shalt  }
0x5e: {  	_ =	shalt  }
0x5f: {  	_ =	shalt  }
0x60: {  	_ =	shalt  }
0x61: {  	_ =	shalt  }
0x62: {  	_ =	shalt  }
0x63: {  	_ =	shalt  }
0x64: {  	_ =	shalt  }
0x65: {  	_ =	shalt  }
0x66: {  	_ =	shalt  }
0x67: {  	_ =	shalt  }
0x68: {  	_ =	shalt  }
0x69: {  	_ =	shalt  }
0x6a: {  	_ =	shalt  }
0x6b: {  	_ =	shalt  }
0x6c: {  	_ =	shalt  }
0x6d: {  	_ =	shalt  }
0x6e: {  	_ =	shalt  }
0x6f: {  	_ =	shalt  }
0x70: {  	_ =	shalt  }
0x71: {  	_ =	shalt  }
0x72: {  	_ =	shalt  }
0x73: {  	_ =	shalt  }
0x74: {  	_ =	shalt  }
0x75: {  	_ =	shalt  }
0x76: {  	_ =	shalt  }
0x77: {  	_ =	shalt  }
0x78: {  	_ =	shalt  }
0x79: {  	_ =	shalt  }
0x7a: {  	_ =	shalt  }
0x7b: {  	_ =	shalt  }
0x7c: {  	_ =	shalt  }
0x7d: {  	_ =	shalt  }
0x7e: {  	_ =	shalt  }
0x7f: {  	_ =	shalt  }
0x80: {  	_ =	shalt  }
0x81: {  	_ =	shalt  }
0x82: {  	_ =	shalt  }
0x83: {  	_ =	shalt  }
0x84: {  	_ =	shalt  }
0x85: {  	_ =	shalt  }
0x86: {  	_ =	shalt  }
0x87: {  	_ =	shalt  }
.Lfunc_end0:
.L_simem_size_0:
called_computation_lowered:
.L_overlay_start_0:
0x88: {  	s0 =	sld [smem:$0x3FD9]  }
0x89: {  	s1 =	sld [smem:$0x3FFE];
	_ =	sdelay $0x3  }
0x8a: {  	s0 =	sadd.s32 s1, s0  }
0x8b: {  	[smem:$0x3FC4] =	sst s0  }
0x8c: {  	_ = 	snop  }
0x8d: {  	s0 =	sld [smem:$0x3FD0];
	(tm) =	ssettm $0x1  }
0x8e: {  	s16 =	sld [smem:$0x3FFB];
	_ =	sdelay $0x3  }
0x8f: {  	_ =	strace s16  }
0x90: {  	s1 =	sld [smem:$0x3FFC];
	_ =	sdelay $0x3  }
0x91: {  	_ =	strace s1  }
0x92: {  	s1 =	sld [smem:$0x3FFD];
	_ =	sdelay $0x3  }
0x93: {  	_ =	strace s1  }
0x94: {  	_ =	strace $0x8FFFFFFF  }
0x95: {  	s17 =	sld [smem:$0x3FDB];
	_ =	sdelay $0x1  }
0x96: {  	s2 =	simm.s32 $_scs_section_size  }
0x97: {  	s3 =	simm.s32 $_size__tile_overlayer_lowered;
	s4 =	simm.s32 $_tile_overlayer_lowered  }
0x98: {  	s20 =	simm.s32 $0x1BFF;
	s19 =	sshll.u32 s4, $0x1;
	s1 =	sadd.s32 s2, s17  }
0x99: {  	s5 =	simm.s32 $0x0;
	s18 =	sshll.u32 s3, $0x1;
	s3 =	sadd.s32 s19, s1  }
0x9a: {  	[timem:s5], [sflag:s20] =	dma.local [hbm:s3], s18  }
0x9b: {  	_ =	swait.ge [sflag:s20], s18  }
0x9c: {  	s2 =	ssub.s32 $0x0, s18;
	[sflag:s20] =	ssyncset.done $0x0  }
0x9d: {  	[sflag:s20] =	ssyncadd.s32 s2;
	_ =	sdelay $0x1  }
0x9e: {  	s21 =	simm.s32 $0x1B8B  }
0x9f: {  	_ =	swait.ge [sflag:s21], $0x1  }
0xa0: {  	[sflag:s21] =	ssyncset.done $0x0  }
0xa1: {  	s23 =	simm.s32 $0x1B8E;
	s22 =	sld [smem:$0x3FFE];
	[sflag:s21] =	ssyncadd.s32 $0xFFFFFFFF  }
0xa2: {  	s24 =	simm.s32 $execute0_lowered;
	[smem:$0x3FD2] =	sst s23  }
0xa3: {  	s3 =	sshll.u32 s24, $0x1;
	_ =	strace $0x80000046;
	[dreg:$0x1] =	wrdreg $0xFFFFFFFF  }
0xa4: {  	s25 =	simm.s32 $_size_execute0_lowered;
	s1 =	sadd.s32 s1, s3;
	[dreg:$0x0] =	wrdreg $0x0  }
0xa5: {  	s3 =	sshll.u32 s25, $0x1;
	[dreg:$0x2] =	wrdreg s1  }
0xa6: {  	[dreg:$0x3] =	wrdreg s3  }
0xa7: {  	[dreg:$0x4] =	wrdreg $0xC0  }
0xa8: {  	_ =	task [dreg:s5], $0x5FFFF  }
0xa9: {  	[dreg:$0x1] =	wrdreg $0xFFFFFFFF  }
0xaa: {  	[dreg:$0x0] =	wrdreg $0x60  }
0xab: {  	[dreg:$0x2] =	wrdreg s0  }
0xac: {  	[dreg:$0x3] =	wrdreg s22  }
0xad: {  	[dreg:$0x4] =	wrdreg $0x9  }
0xae: {  	_ =	task.clear_ibuf [dreg:s5], $0x5FFFF;
	_ =	strace $0x90000046  }
0xaf: {  	s26 =	simm.s32 $0x9;
	_ =	strace $0x80000048  }
0xb0: {  	_ =	swait.ge [sflag:s26], $0x1  }
0xb1: {  	[sflag:s26] =	ssyncadd.s32 $0xFFFFFFFF  }
0xb2: {  	_ =	strace $0x90000048  }
0xb3: {  	_ =	sfence  }
0xb4: {  	s28 =	sld [smem:$0x0];
	_ =	sdelay $0x1  }
0xb5: {  	s29 =	srdreg.scid  }
0xb6: {  	s30 =	sshll.u32 s29, $0xD;
	s31 =	sshrl.u32 s29, $0x2  }
0xb7: {  	s2 =	sand.u32 $0x4000, s30;
	s1 =	sand.u32 $0x1, s29;
	s0 =	sadd.s32 s31, s28  }
0xb8: {  	s1 =	sor.u32 s2, s1;
	s0 =	sshll.u32 s0, $0x11  }
0xb9: {  	s0 =	sor.u32 s0, s1  }
0xba: {  	s0 =	sadd.s32 $0x8F2B, s0  }
0xbb: {  	[sflag:s0] =	ssyncadd.remote.s32 $0x1  }
0xbc: {  	_ =	sfence.sel $0xFFFF  }
0xbd: {  	[dreg:$0x0] =	wrdreg $0xFFFFFFFF;
	(pc) =	sbr.abs _section_cstart, $3  }
0xbe: {  	[dreg:$0x1] =	wrdreg $0xFFFFFFFF  }
0xbf: {  	_ =	task.clear_ibuf [dreg:s5], $0x2FFFF;
	_ =	strace $0x9FFFFFFF  }
0xc0: {  	(tm) =	ssettm $0x7FFFFFFF  }
0xc1: {  	_ =	shalt  }
tec
execute0_lowered:
.L_overlay_start_1:
0x0: {  	(tag) =	ssettag $0x1  }
0x1: {  	s1 =	rddreg [dreg:$0x0]  }
0x2: {  	s0 =	rddreg [dreg:$0x1];
	_ =	strace $0x80000047;
	s2 =	simm.s32 $0x1  }
0x3: {  	s14 =	stileid.u32;
	v1 =	vimm.s32 $0xFFFFFFFF;
	[sflag:s2] =	ssyncpa.u1 $0x0  }
0x4: {  	s3 =	smin.u32 s14, $0x9;
	[tilespmem:$0x10] =	vst v1  }
0x5: {  	v0 =	vimm.s32 $0x7FFFFFFF;
	s3 =	sadd.s32 s14, s3;
	[tilespmem:$0x20] =	vst v1  }
0x6: {  	s4 =	simm.s32 $0x1F40;
	p0 =	slt.u32 s14, $0x9;
	[tilespmem:$0x30] =	vst v0;
	s3 =	smul.u32 $0xFA0, s3  }
0x7: {  	s4 =	simm.s32 @!p0 $0xFA0;
	[tilespmem:$0x40] =	vst v0  }
0x8: {  	[tilespmem:$0x50] =	vst v0;
	s4 =	sadd.s32 s4, s3  }
0x9: {  	s7 =	simm.s32 $0x2;
	[tilespmem:$0x60] =	vst v1;
	s4 =	smin.u32 s4, $0x186A0  }
0xa: {  	s8 =	simm.s32 $0x8;
	s31 =	simm.s32 $0x9;
	[tilespmem:$0x70] =	vst v1;
	s6 =	ssub.s32 s4, s3  }
0xb: {  	s16 =	simm.s32 $0x0;
	s17 =	simm.s32 $0xF0;
	[tilespmem:$0x80] =	vst v1;
	p0 =	sgt.s32 s6, $0x0  }
0xc: {  	s18 =	simm.s32 $0xFFFFFFFF;
	s19 =	simm.s32 $0xFFFFE1C0;
	v1 =	vimm.s32 $0x0;
	[tilespmem:$0xB0] =	vst v0;
	s6 =	simm.s32 @!p0 $0x0  }
0xd: {  	s20 =	simm.s32 $0xFFFFFFFE;
	s21 =	simm.s32 $0xF;
	[tilespmem:$0x90] =	vst v1;
	s5 =	smulhi.u32 $0x10624DD3, s6  }
0xe: {  	s25 =	simm.s32 $0x0;
	[tilespmem:$0xA0] =	vst v1;
	[sflag:s7] =	ssyncpa.u1 $0x0;
	s7 =	simm.s32 $0x7  }
0xf: {  	s24 =	simm.s32 $0x0;
	[sflag:s7] =	ssyncpa.u1 $0x0;
	s9 =	sshrl.u32 s5, $0x8  }
0x10: {  	[sflag:s8] =	ssyncpa.u1 $0x0;
	s5 =	sadd.s32 $0x189C00, s0;
	s10 =	smul.u32 $0xFA0, s9  }
.Ltmp0:
0x11: {  	s23 =	smov.u32 s3;
	s0 =	sadd.s32 $0x18CE00, s0;
	(pc) =	sbr.rel .LBB2_1-.Ltmp0, $4  }
0x12: {  	[sflag:s31] =	ssyncpa.u1 $0x0;
	[dreg:$0x3] =	wrdreg s0;
	p0 =	sne.s32 s6, s10  }
0x13: {  	s10 =	sshll.u32 s14, $0x1;
	s14 =	sshllo.u32 s14, $0x1;
	s2 =	simm.s32 @!p0 $0x0  }
0x14: {  	vm0 =	vmmov $0xffff;
	v2 =	vlaneseq.u32;
	s13 =	sor.u32 $0x81, s10;
	s15 =	sor.u32 $0x80, s10;
	s9 =	sadd.s32 s2, s9  }
0x15: {  	vm1 =	vmxor vm1, vm1;
	vm2 =	vmmov $0x1;
	vm3 =	vcmask $0x3F3C;
	p0 =	por $0x0, $0x0;
	s11 =	sadd.s32 $0x1, s9;
	s12 =	sadd.s32 $0x2, s9  }
.LBB2_9:
0x16: {  	p1 =	slt.u32 s24, $0x3  }
0x17: {  	s0 =	simm.s32 @!p1 $0x2  }
0x18: {  	_ =	swait.ge @!p1 [sflag:s0], $0xFA0  }
0x19: {  	[sflag:s0] =	ssyncset.done @!p1 $0x0  }
0x1a: {  	[sflag:s0] =	ssyncadd.s32 @!p1 $0xFFFFF060;
	s0 =	simm.s32 @!p1 $0x9  }
0x1b: {  	_ =	swait.ge @!p1 [sflag:s0], $0x10  }
0x1c: {  	[sflag:s0] =	ssyncset.done @!p1 $0x0  }
0x1d: {  	[sflag:s0] =	ssyncadd.s32 @!p1 $0xFFFFFFF0;
	p1 =	sne.s32 s24, s12  }
.Ltmp1:
0x1e: {  	s2 =	sadd.s32 $0xFA0, s23;
	(pc) =	sbr.rel @!p1 .LBB2_10-.Ltmp1, $4  }
0x1f: {  	s6 =	smov.u32 s3;
	s31 =	sadd.s32 $0x1, s24;
	s17 =	sadd.s32 $0xFA0, s17  }
0x20: {  	s18 =	sadd.s32 $0x1, s18;
	s25 =	smov.u32 s23;
	p2 =	slt.s32 s2, s4  }
0x21: {  	p0 =	por !p0, !p0;
	s19 =	sadd.s32 $0xFA0, s19;
	s6 =	smov.u32 @p2 s2  }
0x22: {  	s20 =	sadd.s32 $0x1, s20;
	s23 =	smov.u32 s6;
	s24 =	smov.u32 s31  }
.LBB2_1:
0x23: {  	p1 =	sge.u32 s24, s9  }
0x24: {  	s0 =	smulhi.u32 @!p1 $0xAAAAAAAB, s24;
	_ =	sdelay $0x1  }
0x25: {  	s0 =	sshrl.u32 @!p1 s0, $0x1  }
0x26: {  	s0 =	smul.u32 @!p1 $0x3, s0;
	_ =	sdelay $0x1  }
0x27: {  	s0 =	ssub.s32 @!p1 s24, s0  }
0x28: {  	s0 =	smul.u32 @!p1 $0x3E80, s0;
	_ =	sdelay $0x1  }
0x29: {  	s2 =	sshrl.u32 @!p1 s23, $0x3;
	s0 =	sshrl.u32 @!p1 s0, $0x2  }
0x2a: {  	s6 =	sand.u32 @!p1 $0x7, s23;
	s2 =	sadd.s32 @!p1 s5, s2;
	s0 =	sadd.s32 @!p1 $0x100, s0  }
0x2b: {  	[tilespmem:s0], [sflag:$0x7] =	stream.linear.gather @!p1 [hbm4b:s2+s6], $0xFA0, $0x38;
	[tilespmem:$0x8DC0] =	vst v63  }
0x2c: {  	s0 =	sadd.s32 $0xFFFFFFFF, s24  }
0x2d: {  	p1 =	sge.u32 s0, s9  }
.Ltmp2:
0x2e: {  	_ = 	snop;
	(pc) =	sbr.rel @p1 .LBB2_5-.Ltmp2, $1  }
0x2f: {  	_ =	sdelay $0x3  }
0x30: {  	s2 =	smulhi.u32 $0xAAAAAAAB, s0;
	_ =	sdelay $0x1  }
0x31: {  	s2 =	sshrl.u32 s2, $0x1  }
0x32: {  	s2 =	smul.u32 $0x3, s2;
	_ =	sdelay $0x1  }
0x33: {  	s2 =	ssub.s32 s0, s2  }
0x34: {  	s2 =	smul.u32 $0x3E80, s2  }
0x35: {  	_ =	swait.ge [sflag:s7], $0xFA0  }
0x36: {  	[sflag:s7] =	ssyncset.done $0x0;
	s2 =	sshrl.u32 s2, $0x2  }
0x37: {  	[sflag:s7] =	ssyncadd.s32 $0xFFFFF060;
	(ifvalue) =	ssetifvalue $0xFFFFFFFF;
	v3 =	vld.msk [tilespmem:s2+$0x100 ss:$0x1], $0xffff;
	_ =	sdelay $0x2  }
0x38: {  	s30 =	smulhi.u32 $0xAAAAAAAB, s18;
	p1 =	sne.s32 s24, $0x1  }
0x39: {  	v4 =	vimm.s32 @!p1 $0x0  }
0x3a: {  	s2 =	sshrl.u32 s30, $0x1;
	v4 =	vperm.xlane @!p1 v3, v4  }
0x3b: {  	s6 =	sshll.u32 s24, $0x4;
	s2 =	smul.u32 $0xFFFF4480, s2;
	vm4 =	vlt.u32 v3, $0x51000  }
0x3c: {  	s6 =	sand.u32 $0x10, s6;
	v3 =	vnsel vm4, $0xFFFFFFFE, v3;
	vm4 =	vlt.u32 @!p1 v4, $0x51000  }
0x3d: {  	s2 =	sshra.s32 s2, $0x2;
	[tilespmem:s6+$0x60] =	vst v3;
	v3 =	vnsel @!p1 vm4, $0xFFFFFFFE, v4  }
0x3e: {  	s26 =	sadd.s32 s2, s17;
	[tilespmem:$0x80] =	vst @!p1 v3  }
0x3f: {  	v3 =	vld.msk [tilespmem:s26+$0x0 ss:$0x1], $0xffff;
	_ =	sdelay $0x4  }
0x40: {  	(xrf1) =	vunique.msk.u32 $0xffff, v3;
	_ =	sdelay $0xd  }
0x41: {  	v4 =	vimm.s32 $0xFFFFFFFF;
	v5, _, _ =	vpop (xrf1)  }
0x42: {  	vm5 =	vne.s32 v3, v4;
	vm4 =	veq.s32 v5, v2  }
0x43: {  	vm6 =	vlt.u32 v3, $0x51000;
	vm4 =	vmand vm5, vm4  }
0x44: {  	vm4 =	vmand vm6, vm4  }
0x45: {  	v4 =	vnsel vm4, $0xFFFFFFFF, v3  }
0x46: {  	s31 =	sand.u32 $0x1, s0  }
0x47: {  	s0 =	simm.s32 $0xFA0;
	p1 =	seq.s32 s31, $0x1  }
0x48: {  	s0 =	simm.s32 @!p1 $0x0  }
0x49: {  	s2 =	sadd.s32 $0x3F70, s0;
	(ifvalue) =	ssetifvalue $0xFFFFFFFF  }
0x4a: {  	v3 =	vperm.xlane v3, v1;
	[tilespmem:s2], [sflag:$0x8] =	stream.indirect_vreg.gather [hbm4b:s1+s16], $0x1, v4, vm0, $0x4038;
	v4 =	vnsel vm6, $0xFFFFFFFE, v4;
	[tilespmem:$0x8DC0] =	vst v63  }
0x4b: {  	s22 =	sadd.s32 $0xFFFFFFF0, s26;
	s6 =	simm.s32 $0x0;
	[tilespmem:s26+$0x0] =	vst v4  }
.LBB2_3:
0x4c: {  	v4 =	vld.msk [tilespmem:s22+$0x0 ss:$0x1], $0xffff;
	s6 =	sadd.s32 $0x10, s6;
	v5 =	vmov v3;
	s26 =	smov.u32 s22  }
0x4d: {  	p1 =	slt.u32 s6, $0xF90;
	_ =	sdelay $0x4  }
0x4e: {  	v3 =	vperm.xlane v4, v1;
	(xrf1) =	vunique.msk.u32 $0xffff, v4;
	_ =	sdelay $0xd  }
0x4f: {  	v6, _, _ =	vpop (xrf1)  }
0x50: {  	vm5 =	vne.s32 v4, v5;
	vm4 =	veq.s32 v6, v2  }
0x51: {  	vm6 =	vlt.u32 v4, $0x51000;
	vm4 =	vmand vm5, vm4  }
0x52: {  	vm4 =	vmand vm6, vm4  }
0x53: {  	v4 =	vnsel vm4, $0xFFFFFFFF, v4  }
.Ltmp3:
0x54: {  	v5 =	vnsel vm6, $0xFFFFFFFE, v4;
	(pc) =	sbr.rel @p1 .LBB2_3-.Ltmp3, $3  }
0x55: {  	_ =	sdelay $0x1  }
0x56: {  	s22 =	sadd.s32 $0xFFFFFFF0, s22;
	s2 =	sadd.s32 $0xFFFFFFF0, s2;
	(ifvalue) =	ssetifvalue $0xFFFFFFFF  }
0x57: {  	[tilespmem:s2], [sflag:$0x8] =	stream.indirect_vreg.gather [hbm4b:s1+s16], $0x1, v4, vm0, $0x4038;
	[tilespmem:s26+$0x0] =	vst v5  }
0x58: {  	s2 =	sshrl.u32 s25, $0x3;
	s6 =	rddreg [dreg:$0x3]  }
0x59: {  	s0 =	sadd.s32 $0x4F20, s0;
	s2 =	sadd.s32 s6, s2  }
0x5a: {  	[tilespmem:s0], [sflag:$0x8] =	stream.linear.gather [hbm:s2], $0xFA0, $0x38;
	[tilespmem:$0x8DC0] =	vst v63  }
.LBB2_5:
0x5b: {  	p1 =	slt.u32 s24, $0x2  }
0x5c: {  	p2 =	sge.u32 @!p1 s24, s12  }
0x5d: {  	p1 =	por p1, p2  }
.Ltmp4:
0x5e: {  	_ = 	snop;
	(pc) =	sbr.rel @p1 .LBB2_9-.Ltmp4, $1  }
0x5f: {  	_ =	sdelay $0x3  }
0x60: {  	s0 =	sadd.s32 $0xFFFFFFFE, s24  }
0x61: {  	s2 =	smulhi.u32 $0xAAAAAAAB, s0;
	_ =	sdelay $0x1  }
0x62: {  	s2 =	sshrl.u32 s2, $0x1  }
0x63: {  	s2 =	smul.u32 $0x3, s2;
	_ =	sdelay $0x1  }
0x64: {  	s0 =	ssub.s32 s0, s2  }
0x65: {  	_ =	swait.ge [sflag:s8], $0x1F40;
	s0 =	smul.u32 $0xFA0, s0  }
0x66: {  	p1 =	sne.s32 s24, s11;
	[sflag:s8] =	ssyncset.done $0x0  }
0x67: {  	[sflag:s8] =	ssyncadd.s32 $0xFFFFE0C0;
	s2 =	sadd.s32 @!p1 $0x109F, s0  }
0x68: {  	[spmem:s13] =	stream.linear.scatter @!p1 [tilespmem:s2], [sflag:$0x1], $0x1, $0x38;
	[tilespmem:$0x8DC0] =	vst v63  }
0x69: {  	s2 =	simm.s32 @!p1 $0x1  }
0x6a: {  	_ =	swait.ge @!p1 [sflag:s2], $0x1  }
0x6b: {  	s6 =	sshll.u32 s24, $0x4;
	[sflag:s2] =	ssyncset.done @!p1 $0x0  }
0x6c: {  	s25 =	sand.u32 $0x10, s6;
	[sflag:s2] =	ssyncadd.s32 @!p1 $0xFFFFFFFF  }
0x6d: {  	s2 =	sxor.u32 $0x10, s25;
	v4 =	vld [tilespmem:s25+$0x10]  }
0x6e: {  	v5 =	vld [tilespmem:s2+$0x60]  }
0x6f: {  	v3 =	vld [tilespmem:$0x80];
	_ =	sdelay $0x2  }
0x70: {  	(v2sf) =	vpush v4, $0x0  }
0x71: {  	(v2sf) =	vpush v5, $0x0  }
0x72: {  	(v2sf) =	vpush v3, $0x0;
	_ =	sdelay $0xc  }
0x73: {  	s26 =	spop (v2sf)  }
0x74: {  	s22 =	spop (v2sf)  }
0x75: {  	s28 =	spop (v2sf)  }
0x76: {  	p3 =	seq.s32 s26, s22;
	p2 =	seq.s32 s28, s26  }
0x77: {  	p2 =	por p3, p2  }
0x78: {  	s26 =	sand.u32 $0x1, s24;
	v4 =	vpsel p2, $0xFFFFFFFF, v4  }
0x79: {  	s29 =	smul.u32 $0xFA0, s26;
	[tilespmem:s25+$0x10] =	vst.msk $0x1, v4  }
0x7a: {  	v4 =	vld [tilespmem:$0x30]  }
0x7b: {  	v5 =	vld [tilespmem:s29+$0x4F20]  }
0x7c: {  	v6 =	vld [tilespmem:s25+$0x40];
	_ =	sdelay $0x3  }
0x7d: {  	vm4 =	vmmov vm1;
	vm6 =	vmmov vm2;
	vm5 =	vlt.s32 v4, v5  }
0x7e: {  	vm4 =	vmmov @p3 vm2;
	s6 =	sshll.u32 s26, $0x4;
	v5 =	vsel vm5, v4, v5;
	vm5 =	vlt.s32 v4, v6  }
0x7f: {  	vm6 =	vmmov @p2 vm1;
	s26 =	sor.u32 $0x8DA0, s6;
	v4 =	vsel vm5, v4, v6;
	[tilespmem:s29+$0x4F20] =	vst.msk vm4, v5  }
0x80: {  	[tilespmem:s26+$0x0] =	vst.msk vm6, v4  }
0x81: {  	v4 =	vld [tilespmem:s29+$0x3F70];
	_ =	sdelay $0x4  }
0x82: {  	v4 =	vshift.insert v4, v1, s21  }
0x83: {  	s22 =	sor.u32 $0x40, s2  }
0x84: {  	v5 =	vimm.s32 $0x7FFFFFFF;
	[tilespmem:s22+$0x0] =	vst.msk $0x1, v4  }
0x85: {  	[tilespmem:s29+$0x3F7F] =	vst.msk $0x1, v5  }
0x86: {  	v4 =	vld [tilespmem:s0+$0x1090];
	_ =	sdelay $0x1  }
0x87: {  	s0 =	simm.s32 $0x1  }
0x88: {  	s22 =	smulhi.u32 $0xAAAAAAAB, s20;
	s0 =	simm.s32 @!p0 $0x0  }
0x89: {  	s0 =	smul.u32 $0x3E80, s0  }
0x8a: {  	s6 =	sshrl.u32 s22, $0x1;
	v4 =	vshift.insert v4, v1, s21  }
0x8b: {  	s6 =	smul.u32 $0xFFFF4480, s6;
	s0 =	sshrl.u32 s0, $0x2  }
0x8c: {  	s22 =	sadd.s32 $0x4F20, s0;
	[tilespmem:s2+$0x10] =	vst.msk $0x1, v4  }
0x8d: {  	s6 =	sshra.s32 s6, $0x2;
	v6 =	vld [tilespmem:s22+$0x0]  }
0x8e: {  	s2 =	sadd.s32 s6, s19  }
0x8f: {  	v7 =	vld [tilespmem:s2+$0x0];
	_ =	sdelay $0x2  }
0x90: {  	vm4 =	vlt.s32 v6, v5  }
0x91: {  	v5 =	vsel vm4, v6, v5  }
0x92: {  	vm4 =	vne.s32 v7, $0xFFFFFFFF;
	v5 =	vxor.u32 $0x80000000, v5  }
0x93: {  	(xrf0) =	vmin.seg.scan.u32 vm4, v5  }
0x94: {  	s6 =	sadd.s32 $0x2FE0, s0  }
0x95: {  	v8 =	vld [tilespmem:s6+$0x0]  }
0x96: {  	v6 =	vld [tilespmem:$0xA0];
	_ =	sdelay $0x2  }
0x97: {  	v5 =	vperm.xlane v4, v1;
	v9, _, _ =	vpop (xrf0)  }
0x98: {  	vm6 =	veq.s32 v7, v3;
	v9 =	vxor.u32 $0x80000000, v9  }
0x99: {  	vm8 =	veq.s32 v7, v5;
	vm5 =	veq.s32 v6, $0x1;
	vm7 =	vlt.s32 v9, v8  }
0x9a: {  	vm8 =	vmor vm8, vm6;
	v6 =	vsel vm7, v9, v8;
	vm7 =	vgt.u32 v7, $0xFFFFFFFD  }
0x9b: {  	v10 =	vld [tilespmem:$0x90];
	vm9 =	vmand vm4, vm3;
	vm4 =	vmor vm5, vm6;
	vm5 =	vmor vm8, vm7  }
0x9c: {  	v8 =	vsel vm5, $0xFFFFFFFF, v7;
	_ =	sdelay $0x1  }
0x9d: {  	s31 =	simm.s32 $0x0  }
0x9e: {  	s30 =	sadd.s32 $0x6E60, s0;
	s0 =	sadd.s32 $0x10, s22;
	s2 =	sadd.s32 $0x10, s2;
	v11 =	vsel vm9, $0x7FFFFFFF, v9;
	v6 =	vsel vm6, v9, v6  }
0x9f: {  	s22 =	sadd.s32 $0x10, s30;
	s6 =	sadd.s32 $0x10, s6;
	[tilespmem:s30+$0x0] =	vst v6;
	v6 =	vsel vm6, v9, v10;
	v7 =	vshift.insert v11, v0, s21;
	(ifvalue) =	ssetifvalue $0xFFFFFFFF  }
.LBB2_7:
0xa0: {  	[hbm4b:s1+s16] =	stream.indirect_vreg.scatter [tilespmem:s30], [sflag:$0x2], $0x1, v8, vm0, $0x4038;
	[tilespmem:$0x8DC0] =	vst v63  }
0xa1: {  	s31 =	sadd.s32 $0x10, s31;
	s30 =	smov.u32 s22;
	v8 =	vld [tilespmem:s0+$0x0]  }
0xa2: {  	p2 =	slt.u32 s31, $0xF90  }
0xa3: {  	v9 =	vld [tilespmem:s2+$0x0];
	_ =	sdelay $0x2  }
0xa4: {  	vm5 =	vlt.s32 v8, v7  }
0xa5: {  	v7 =	vsel vm5, v8, v7  }
0xa6: {  	vm5 =	vne.s32 v9, $0xFFFFFFFF;
	v7 =	vxor.u32 $0x80000000, v7  }
0xa7: {  	(xrf0) =	vmin.seg.scan.u32 vm5, v7;
	_ =	sdelay $0x2  }
0xa8: {  	v7 =	vld [tilespmem:s6+$0x0];
	_ =	sdelay $0x1  }
0xa9: {  	vm6 =	veq.s32 v9, v3;
	vm7 =	veq.s32 v9, v5  }
0xaa: {  	vm8 =	vgt.u32 v9, $0xFFFFFFFD;
	vm4 =	vmor vm4, vm6;
	vm7 =	vmor vm7, vm6;
	v8, _, _ =	vpop (xrf0)  }
0xab: {  	vm5 =	vmand vm5, vm3;
	vm7 =	vmor vm7, vm8;
	v10 =	vxor.u32 $0x80000000, v8  }
.Ltmp5:
0xac: {  	v8 =	vsel vm7, $0xFFFFFFFF, v9;
	vm7 =	vlt.s32 v10, v7;
	v9 =	vsel vm5, $0x7FFFFFFF, v10;
	(pc) =	sbr.rel @p2 .LBB2_7-.Ltmp5, $4  }
0xad: {  	v6 =	vsel vm6, v10, v6;
	v11 =	vsel vm7, v10, v7;
	v7 =	vshift.insert v9, v0, s21  }
0xae: {  	v9 =	vsel vm6, v10, v11  }
0xaf: {  	s0 =	sadd.s32 $0x10, s0;
	s2 =	sadd.s32 $0x10, s2;
	[tilespmem:s22+$0x0] =	vst v9  }
0xb0: {  	s6 =	sadd.s32 $0x10, s6;
	s22 =	sadd.s32 $0x10, s22;
	(ifvalue) =	ssetifvalue $0xFFFFFFFF  }
0xb1: {  	_ =	sdelay $0x3  }
0xb2: {  	[hbm4b:s1+s16] =	stream.indirect_vreg.scatter [tilespmem:s30], [sflag:$0x2], $0x1, v8, vm0, $0x4038;
	[tilespmem:$0x8DC0] =	vst v63  }
0xb3: {  	v3 =	vld [tilespmem:s29+$0x7DF0];
	_ =	sdelay $0x4  }
0xb4: {  	v3 =	vshift.insert v3, v1, s21  }
0xb5: {  	s0 =	simm.s32 $0x30  }
0xb6: {  	[tilespmem:s0+$0x0] =	vst.msk $0x1, v3  }
0xb7: {  	v3 =	vsel vm4, $0x1, v1;
	[tilespmem:$0x90] =	vst v6  }
0xb8: {  	s0 =	sadd.s32 @!p1 $0x7DFF, s29;
	[tilespmem:$0xA0] =	vst v3  }
0xb9: {  	[spmem:s14] =	stream.linear.scatter @!p1 [tilespmem:s0], [sflag:$0x1], $0x1, $0x38;
	[tilespmem:$0x8DC0] =	vst v63  }
0xba: {  	s0 =	simm.s32 @!p1 $0x1  }
0xbb: {  	v3 =	vmctz.xlane @!p1 vm4;
	_ =	swait.ge @!p1 [sflag:s0], $0x1  }
0xbc: {  	(v2sf) =	vpush @!p1 v4, $0x0  }
0xbd: {  	(v2sf) =	vpush @!p1 v3, $0x0;
	_ =	sdelay $0xd  }
0xbe: {  	s2 =	spop @!p1 (v2sf)  }
0xbf: {  	s6 =	spop @!p1 (v2sf)  }
0xc0: {  	p2 =	sne.s32 @!p1 s28, s2;
	p3 =	slt.s32 @!p1 s6, $0xF  }
0xc1: {  	[sflag:s0] =	ssyncset.done @!p1 $0x0;
	p2 =	por p2, p1;
	p3 =	por !p3, p1  }
0xc2: {  	[sflag:s0] =	ssyncadd.s32 @!p1 $0xFFFFFFFF;
	v3 =	vimm.s32 @!p2 $0xFFFFFFFF;
	s6 =	simm.s32 @p3 $0xF  }
0xc3: {  	[tilespmem:$0x80] =	vst @!p2 v3;
	s2 =	sadd.s32 @!p1 $0x90, s6  }
0xc4: {  	[spmem:s10] =	stream.linear.scatter @!p1 [tilespmem:s2], [sflag:$0x1], $0x1, $0x38;
	[tilespmem:$0x8DC0] =	vst v63  }
0xc5: {  	_ =	swait.ge @!p1 [sflag:s0], $0x1  }
0xc6: {  	[sflag:s0] =	ssyncset.done @!p1 $0x0  }
0xc7: {  	s2 =	simm.s32 @!p1 $0x80;
	[sflag:s0] =	ssyncadd.s32 @!p1 $0xFFFFFFFF  }
0xc8: {  	[spmem:s15] =	stream.linear.scatter @!p1 [tilespmem:s2], [sflag:$0x1], $0x1, $0x38;
	[tilespmem:$0x8DC0] =	vst v63  }
0xc9: {  	_ =	swait.ge @!p1 [sflag:s0], $0x1  }
0xca: {  	[sflag:s0] =	ssyncset.done @!p1 $0x0  }
0xcb: {  	[sflag:s0] =	ssyncadd.s32 @!p1 $0xFFFFFFFF;
	(ifvalue) =	ssetifvalue $0xFFFFFFFF;
	v3 =	vld [tilespmem:s25+$0x10];
	_ =	sdelay $0x3  }
.Ltmp6:
0xcc: {  	_ = 	snop;
	(pc) =	sbr.rel .LBB2_9-.Ltmp6, $3  }
0xcd: {  	_ =	sdelay $0x1  }
0xce: {  	(ifvalue) =	ssetifvalue $0xFFFFFFFF  }
0xcf: {  	[hbm4b:s1+s16] =	stream.indirect_vreg.scatter [tilespmem:s26], [sflag:$0x9], $0x1, v3, vm0, $0x4038;
	[tilespmem:$0x8DC0] =	vst v63  }
.LBB2_10:
0xd0: {  	_ =	sfence.sel $0x180000  }
0xd1: {  	s0 =	simm.s32 $0x7;
	[bflag:$0x0] =	sbarrier.arrive $0xFFFF  }
0xd2: {  	s26 =	simm.s32 $0x8;
	[sflag:s0] =	ssyncpa.u1 $0x1  }
0xd3: {  	s28 =	simm.s32 $0x9;
	[sflag:s26] =	ssyncpa.u1 $0x1  }
0xd4: {  	[sflag:s28] =	ssyncpa.u1 $0x1  }
0xd5: {  	_ =	sfence.stream.spmem  }
0xd6: {  	s29 =	simm.s32 $0x3;
	[bflag:$0x0] =	sbarrier.arrive $0xFFFF  }
0xd7: {  	s30 =	simm.s32 $0x4;
	[sflag:s29] =	ssyncpa.u1 $0x1  }
0xd8: {  	s31 =	simm.s32 $0x3C;
	s2 =	stileid.u32;
	[sflag:s30] =	ssyncpa.u1 $0x1  }
0xd9: {  	p0 =	sne.s32 s2, $0x0;
	[sflag:s31] =	ssyncpa.u1 $0x1  }
0xda: {  	s0 =	simm.s32 @p0 $0x1;
	_ =	sfence @p0  }
0xdb: {  	[sflag:s0] =	ssyncpa.u1 @p0 $0x1;
	s0 =	simm.s32 @p0 $0x2  }
0xdc: {  	[sflag:s0] =	ssyncpa.u1 @p0 $0x1  }
0xdd: {  	_ =	strace @p0 $0x90000047  }
0xde: {  	[bflag:$0x2] =	sbarrier.arrive @p0 $0xFFFF  }
0xdf: {  	_ =	shalt @p0  }
.LBB2_11:
0xe0: {  	_ =	sfence.stream.spmem;
	s0 =	simm.s32 $0x5  }
0xe1: {  	s2 =	simm.s32 $0x80;
	s3 =	simm.s32 $0xC0;
	[sflag:s0] =	ssyncpa.u1 $0x0  }
0xe2: {  	[tilespmem:s3], [sflag:$0x5] =	stream.linear.gather [spmem:s2], $0x20, $0x38;
	[tilespmem:$0x8DC0] =	vst v63  }
0xe3: {  	s30 =	simm.s32 $0xE0;
	s2 =	simm.s32 $0x0  }
0xe4: {  	[tilespmem:s30], [sflag:$0x5] =	stream.linear.gather [spmem:s2], $0x20, $0x38;
	[tilespmem:$0x8DC0] =	vst v63  }
.Ltmp7:
0xe5: {  	_ = 	snop;
	(pc) =	sbr.rel .LBB2_12-.Ltmp7, $4  }
0xe6: {  	_ =	swait.ge [sflag:s0], $0x40  }
0xe7: {  	[sflag:s0] =	ssyncset.done $0x0  }
0xe8: {  	s31 =	simm.s32 $0x6;
	[sflag:s0] =	ssyncadd.s32 $0xFFFFFFC0  }
0xe9: {  	s3 =	simm.s32 $0x0;
	[sflag:s31] =	ssyncpa.u1 $0x0  }
.LBB2_17:
0xea: {  	p0 =	sgt.u32 s4, $0x50FFF  }
0xeb: {  	s0 =	sshrl.u32 @!p0 s4, $0x3  }
0xec: {  	s4 =	sand.u32 @!p0 $0x7, s4;
	s5 =	simm.s32 @!p0 $0xB0;
	s0 =	sadd.s32 @!p0 s1, s0  }
0xed: {  	[tilespmem:s5], [sflag:$0x6] =	stream.linear.gather @!p0 [hbm4b:s0+s4], $0x1, $0x38;
	[tilespmem:$0x8DC0] =	vst v63  }
0xee: {  	s0 =	simm.s32 @!p0 $0x6  }
0xef: {  	_ =	swait.ge @!p0 [sflag:s0], $0x1  }
0xf0: {  	[sflag:s0] =	ssyncset.done @!p0 $0x0  }
0xf1: {  	[sflag:s0] =	ssyncadd.s32 @!p0 $0xFFFFFFFF  }
0xf2: {  	v1 =	vld.msk @!p0 [tilespmem:$0xB0], $0x1  }
0xf3: {  	v2 =	vld.msk @!p0 [tilespmem:s3+$0xE0], $0x1;
	_ =	sdelay $0x4  }
0xf4: {  	vm0 =	vlt.s32 @!p0 v2, v1  }
0xf5: {  	v1 =	vsel @!p0 vm0, v2, v1  }
0xf6: {  	[tilespmem:s3+$0xE0] =	vst.msk @!p0 $0x1, v1  }
0xf7: {  	[tilespmem:s2+$0xC0] =	vst.msk $0x1, v0  }
0xf8: {  	v0 =	vld.msk [tilespmem:s3+$0xE0], $0x1;
	_ =	sdelay $0x4  }
0xf9: {  	[tilespmem:s2+$0xE0] =	vst.msk $0x1, v0;
	s2 =	sadd.s32 $0x1, s2  }
.LBB2_19:
0xfa: {  	s3 =	sadd.s32 $0x1, s3  }
0xfb: {  	p0 =	sne.s32 s3, $0x20  }
.Ltmp8:
0xfc: {  	_ = 	snop;
	(pc) =	sbr.rel @!p0 .LBB2_20-.Ltmp8, $1  }
0xfd: {  	_ =	sdelay $0x3  }
.LBB2_12:
0xfe: {  	v0 =	vld.msk [tilespmem:s3+$0xC0], $0x1;
	_ =	sdelay $0x4  }
0xff: {  	(v2sf) =	vpush v0, $0x0;
	_ =	sdelay $0xe  }
0x100: {  	s4 =	spop (v2sf)  }
0x101: {  	p0 =	seq.s32 s4, $0xFFFFFFFF  }
.Ltmp9:
0x102: {  	_ = 	snop;
	(pc) =	sbr.rel @p0 .LBB2_19-.Ltmp9, $1  }
0x103: {  	_ =	sdelay $0x3  }
0x104: {  	p0 =	slt.s32 s2, $0x1  }
.Ltmp10:
0x105: {  	_ = 	snop;
	(pc) =	sbr.rel @p0 .LBB2_17-.Ltmp10, $1  }
0x106: {  	_ =	sdelay $0x3  }
0x107: {  	s0 =	simm.s32 $0xC0;
	p0 =	por $0x0, $0x0  }
0x108: {  	v1 =	vld.msk @!p0 [tilespmem:s0+$0x0], $0x1;
	_ =	sdelay $0x4  }
0x109: {  	(v2sf) =	vpush @!p0 v1, $0x0;
	_ =	sdelay $0xd  }
0x10a: {  	p2 =	sne.s32 s2, $0x1  }
.Ltmp11:
0x10b: {  	s5 =	spop @!p0 (v2sf);
	(pc) =	sbr.rel @!p2 .LBB2_16-.Ltmp11, $4  }
0x10c: {  	p1 =	seq.s32 @!p0 s4, s5  }
0x10d: {  	s5 =	simm.s32 $0x0;
	p1 =	por !p1, p0  }
0x10e: {  	s7 =	simm.s32 $0xFFFFFFFF;
	s5 =	simm.s32 @p1 $0xFFFFFFFF  }
0x10f: {  	s6 =	simm.s32 $0x1;
	s5 =	smov.u32 @p0 s7  }
.LBB2_15:
0x110: {  	s7 =	smov.u32 s5;
	p0 =	sne.s32 s5, $0xFFFFFFFF  }
0x111: {  	s0 =	sadd.s32 $0x1, s0;
	s5 =	smov.u32 s6;
	s6 =	sadd.s32 $0x1, s6  }
0x112: {  	p1 =	sne.s32 s2, s6;
	v1 =	vld.msk @!p0 [tilespmem:s0+$0x0], $0x1;
	_ =	sdelay $0x4  }
0x113: {  	(v2sf) =	vpush @!p0 v1, $0x0;
	_ =	sdelay $0xe  }
.Ltmp12:
0x114: {  	s8 =	spop @!p0 (v2sf);
	(pc) =	sbr.rel @p1 .LBB2_15-.Ltmp12, $4  }
0x115: {  	p2 =	seq.s32 @!p0 s4, s8  }
0x116: {  	p2 =	por !p2, p0  }
0x117: {  	s5 =	simm.s32 @p2 $0xFFFFFFFF  }
0x118: {  	s5 =	smov.u32 @p0 s7  }
.LBB2_16:
0x119: {  	p0 =	sne.s32 s5, $0xFFFFFFFF  }
.Ltmp13:
0x11a: {  	_ = 	snop;
	(pc) =	sbr.rel @!p0 .LBB2_17-.Ltmp13, $1  }
0x11b: {  	_ =	sdelay $0x3  }
0x11c: {  	v0 =	vld.msk [tilespmem:s3+$0xE0], $0x1  }
0x11d: {  	v1 =	vld.msk [tilespmem:s5+$0xE0], $0x1;
	_ =	sdelay $0x2  }
.Ltmp14:
0x11e: {  	_ = 	snop;
	(pc) =	sbr.rel .LBB2_19-.Ltmp14, $4  }
0x11f: {  	_ = 	snop  }
0x120: {  	vm0 =	vlt.s32 v1, v0  }
0x121: {  	v0 =	vsel vm0, v1, v0  }
0x122: {  	[tilespmem:s5+$0xE0] =	vst.msk $0x1, v0  }
.LBB2_20:
0x123: {  	p0 =	slt.s32 s2, $0x1  }
.Ltmp15:
0x124: {  	_ = 	snop;
	(pc) =	sbr.rel @p0 .LBB2_24-.Ltmp15, $3  }
0x125: {  	_ =	sdelay $0x1  }
0x126: {  	s0 =	simm.s32 $0x6  }
0x127: {  	s3 =	simm.s32 $0x0;
	[sflag:s0] =	ssyncpa.u1 $0x1  }
0x128: {  	s0 =	simm.s32 $0xC0  }
0x129: {  	v0 =	vld.msk [tilespmem:s0+$0x0], $0x1;
	_ =	sdelay $0x4  }
0x12a: {  	(v2sf) =	vpush v0, $0x0;
	_ =	sdelay $0xe  }
0x12b: {  	s2 =	sadd.s32 $0xFFFFFFFF, s2;
	s4 =	spop (v2sf)  }
0x12c: {  	p1 =	sne.s32 s2, $0x0;
	p0 =	sgt.u32 s4, $0x50FFF  }
.Ltmp16:
0x12d: {  	s5 =	sshrl.u32 @!p0 s4, $0x3;
	(pc) =	sbr.rel @!p1 .LBB2_23-.Ltmp16, $4  }
0x12e: {  	s0 =	simm.s32 $0xE0;
	s4 =	sand.u32 @!p0 $0x7, s4;
	s5 =	sadd.s32 @!p0 s1, s5  }
0x12f: {  	[hbm4b:s5+s4] =	stream.linear.scatter @!p0 [tilespmem:s0], [sflag:$0x5], $0x1, $0x38;
	[tilespmem:$0x8DC0] =	vst v63  }
0x130: {  	s5 =	simm.s32 $0x0  }
0x131: {  	s4 =	simm.s32 $0xC1;
	s5 =	simm.s32 @!p0 $0x4  }
.LBB2_22:
0x132: {  	v0 =	vld.msk [tilespmem:s4+$0x0], $0x1;
	s2 =	sadd.s32 $0xFFFFFFFF, s2;
	s3 =	sadd.s32 s3, s5  }
0x133: {  	p0 =	sne.s32 s2, $0x0;
	_ =	sdelay $0x3  }
0x134: {  	(v2sf) =	vpush v0, $0x0;
	_ =	sdelay $0xe  }
.Ltmp17:
0x135: {  	s6 =	spop (v2sf);
	(pc) =	sbr.rel @p0 .LBB2_22-.Ltmp17, $4  }
0x136: {  	s5 =	simm.s32 $0x0;
	p1 =	sgt.u32 s6, $0x50FFF  }
0x137: {  	s0 =	sadd.s32 $0x1, s0;
	s5 =	simm.s32 @!p1 $0x4;
	s7 =	sshrl.u32 @!p1 s6, $0x3  }
0x138: {  	s4 =	sadd.s32 $0x1, s4;
	s6 =	sand.u32 @!p1 $0x7, s6;
	s7 =	sadd.s32 @!p1 s1, s7  }
0x139: {  	[hbm4b:s7+s6] =	stream.linear.scatter @!p1 [tilespmem:s0], [sflag:$0x5], $0x1, $0x38;
	[tilespmem:$0x8DC0] =	vst v63  }
.LBB2_23:
0x13a: {  	s0 =	sadd.s32 s3, s5  }
0x13b: {  	s3 =	sshrl.u32 s0, $0x2  }
.LBB2_24:
0x13c: {  	s0 =	simm.s32 $0x5  }
0x13d: {  	_ =	swait.ge [sflag:s0], s3  }
0x13e: {  	s1 =	ssub.s32 $0x0, s3;
	[sflag:s0] =	ssyncset.done $0x0  }
0x13f: {  	[sflag:s0] =	ssyncadd.s32 s1  }
0x140: {  	[sflag:s0] =	ssyncpa.u1 $0x1  }
0x141: {  	s29 =	simm.s32 $0x1;
	_ =	sfence  }
0x142: {  	s30 =	simm.s32 $0x2;
	[sflag:s29] =	ssyncpa.u1 $0x1  }
0x143: {  	[sflag:s30] =	ssyncpa.u1 $0x1  }
0x144: {  	_ =	strace $0x90000047  }
0x145: {  	[bflag:$0x2] =	sbarrier.arrive $0xFFFF  }
0x146: {  	s31 =	rddreg [dreg:$0x2]  }
0x147: {  	s0 =	sadd.s32 $0x100000, s31  }
0x148: {  	[sflag:s0] =	ssyncadd.tile.s32 $0x1;
	_ =	shalt  }
.Lfunc_end2:
_tile_overlayer_lowered:
.L_overlay_start_2:
0x149: {  	(tag) =	ssettag $0x2  }
0x14a: {  	s0 =	rddreg [dreg:$0x0];
	s2 =	stileid.u32  }
0x14b: {  	s1 =	rddreg [dreg:$0x1];
	p0 =	sne.s32 s2, $0x0  }
0x14c: {  	s3 =	rddreg [dreg:$0x2];
	[bflag:$0x3] =	sbarrier.arrive $0xFFFF;
	s2 =	simm.s32 @!p0 $0x1C01  }
0x14d: {  	[timem:s3], [sflag:s2] =	dma.local @!p0 [hbm:s0], s1  }
0x14e: {  	s0 =	simm.s32 @!p0 $0x1  }
0x14f: {  	_ =	swait.ge @!p0 [sflag:s0], s1  }
0x150: {  	s1 =	ssub.s32 @!p0 $0x0, s1;
	[sflag:s0] =	ssyncset.done @!p0 $0x0  }
0x151: {  	[sflag:s0] =	ssyncadd.s32 @!p0 s1  }
0x152: {  	[bflag:$0x3] =	sbarrier.arrive $0xFFFF  }
0x153: {  	_ =	shalt  }

</sc_bundles>
